<compile_context>
chip_gen: v7x
topology: tpu7x:2x2x1
jax: 0.10.2.dev20260603
libtpu: 0.0.44.dev20260713+nightly
codegen_flags: <defaults>
</compile_context>

<pallas_src>
import functools

import jax
import jax.numpy as jnp
from jax import lax
from jax.experimental import pallas as pl
from jax.experimental.pallas import tpu as pltpu
from jax.experimental.pallas import tpu_sc as plsc

_NSC = 2
_NSUB = 16
_NW = _NSC * _NSUB
_CH = 128
_BR = 1024


def _sc_mesh():
    return plsc.VectorSubcoreMesh(core_axis_name="c", subcore_axis_name="s")


def _fill_zeros_1d(ref, cols):
    z16 = jnp.zeros((16,), jnp.float32)
    for k in range(cols // 16):
        ref[pl.ds(k * 16, 16)] = z16


def _fill_zeros_2d(ref, rows, cols):
    z16 = jnp.zeros((16,), jnp.float32)
    for r in range(rows):
        for k in range(cols // 16):
            ref[r, pl.ds(k * 16, 16)] = z16


@functools.partial(jax.jit, static_argnames=("n_pad", "e_pad"))
def _sc_degree(dst2, *, n_pad, e_pad):
    rows_per_sub = n_pad // _NSUB
    e_per_w = e_pad // _NW
    nch = e_per_w // _CH
    nsg = nch // _SG
    assert nch == nsg * _SG and nsg >= 2
    total_rows = e_pad // _CH

    @functools.partial(
        pl.kernel,
        mesh=_sc_mesh(),
        out_type=jax.ShapeDtypeStruct((_NSC, n_pad), jnp.float32),
        scratch_types=[
            pltpu.VMEM((2 * _SG, _CH), jnp.int32),
            pltpu.VMEM((_CH,), jnp.float32),
            pltpu.VMEM((rows_per_sub,), jnp.float32),
            pltpu.VMEM_SHARED((n_pad,), jnp.float32),
            pltpu.SemaphoreType.DMA,
            pltpu.SemaphoreType.DMA,
        ],
    )
    def deg_kernel(dst_hbm, out_hbm, dst_i, ones_v, zb, deg_sh, ss, si):
        c = lax.axis_index("c")
        s = lax.axis_index("s")
        wid = c * _NSUB + s
        row0 = wid * nch
        one16 = jnp.ones((16,), jnp.float32)
        for k in range(_CH // 16):
            ones_v[pl.ds(k * 16, 16)] = one16

        def s_start(row):
            pltpu.async_copy(ones_v, deg_sh.at[dst_i.at[row]], ss, add=True)

        def s_drain():
            for _ in range(_SG):
                pltpu.make_async_copy(ones_v, deg_sh.at[pl.ds(0, _CH)],
                                      ss).wait()

        def idx_prefetch(sg_next, half_base):
            rstart = jnp.minimum(row0 + sg_next * _SG,
                                 jnp.int32(total_rows - _SG))
            pltpu.async_copy(dst_hbm.at[pl.ds(rstart, _SG)],
                             dst_i.at[pl.ds(half_base, _SG)], si)

        def idx_wait():
            pltpu.make_async_copy(dst_hbm.at[pl.ds(0, _SG)],
                                  dst_i.at[pl.ds(0, _SG)], si).wait()

        pltpu.sync_copy(dst_hbm.at[pl.ds(row0, _SG)],
                        dst_i.at[pl.ds(0, _SG)])
        _fill_zeros_1d(zb, rows_per_sub)
        r0 = s * rows_per_sub
        pltpu.sync_copy(zb, deg_sh.at[pl.ds(r0, rows_per_sub)])
        plsc.subcore_barrier()

        for k in range(_SG):
            s_start(k)
        idx_prefetch(1, _SG)

        def body(sg, carry):
            idx_wait()
            hb = lax.rem(sg, 2) * _SG
            s_drain()
            for k in range(_SG):
                s_start(hb + k)
            idx_prefetch(sg + 1, _SG - hb)
            return carry

        lax.fori_loop(1, nsg, body, 0)
        s_drain()
        idx_wait()

        plsc.subcore_barrier()
        pltpu.sync_copy(deg_sh.at[pl.ds(r0, rows_per_sub)],
                        out_hbm.at[c, pl.ds(r0, rows_per_sub)])

    return deg_kernel(dst2)


_SG = 16


@functools.partial(jax.jit, static_argnames=("n_pad", "e_pad", "d"))
def _sc_aggregate(hs, src2, dst2, *, n_pad, e_pad, d):
    rows_per_sub = n_pad // _NSUB
    e_per_w = e_pad // _NW
    nch = e_per_w // _CH
    nsg = nch // _SG
    assert nch == nsg * _SG and nsg >= 2
    total_rows = e_pad // _CH

    @functools.partial(
        pl.kernel,
        mesh=_sc_mesh(),
        out_type=jax.ShapeDtypeStruct((_NSC, n_pad, d), jnp.float32),
        scratch_types=[
            pltpu.VMEM((2 * _SG, _CH), jnp.int32),
            pltpu.VMEM((2 * _SG, _CH), jnp.int32),
            pltpu.VMEM((_CH, d), jnp.float32),
            pltpu.VMEM((_CH, d), jnp.float32),
            pltpu.VMEM((64, d), jnp.float32),
            pltpu.VMEM_SHARED((n_pad, d), jnp.float32),
            pltpu.SemaphoreType.DMA,
            pltpu.SemaphoreType.DMA,
            pltpu.SemaphoreType.DMA,
            pltpu.SemaphoreType.DMA,
            pltpu.SemaphoreType.DMA,
        ],
    )
    def agg_kernel(hs_hbm, src_hbm, dst_hbm, out_hbm,
                   src_i, dst_i, d0, d1, zbuf, acc_sh,
                   sg0, sg1, ss0, ss1, si):
        data = (d0, d1)
        gsem = (sg0, sg1)
        ssem = (ss0, ss1)
        c = lax.axis_index("c")
        s = lax.axis_index("s")
        wid = c * _NSUB + s
        row0 = wid * nch

        def g_start(row, b):
            pltpu.async_copy(hs_hbm.at[src_i.at[row]], data[b], gsem[b])

        def g_wait(b):
            pltpu.make_async_copy(hs_hbm.at[pl.ds(0, _CH)], data[b],
                                  gsem[b]).wait()

        def s_start(row, b):
            pltpu.async_copy(data[b], acc_sh.at[dst_i.at[row]], ssem[b],
                             add=True)

        def s_wait(b):
            pltpu.make_async_copy(data[b], acc_sh.at[pl.ds(0, _CH)],
                                  ssem[b]).wait()

        def idx_prefetch(sg_next, half_base):
            rstart = jnp.minimum(row0 + sg_next * _SG,
                                 jnp.int32(total_rows - _SG))
            pltpu.async_copy(src_hbm.at[pl.ds(rstart, _SG)],
                             src_i.at[pl.ds(half_base, _SG)], si)
            pltpu.async_copy(dst_hbm.at[pl.ds(rstart, _SG)],
                             dst_i.at[pl.ds(half_base, _SG)], si)

        def idx_wait():
            pltpu.make_async_copy(src_hbm.at[pl.ds(0, _SG)],
                                  src_i.at[pl.ds(0, _SG)], si).wait()
            pltpu.make_async_copy(dst_hbm.at[pl.ds(0, _SG)],
                                  dst_i.at[pl.ds(0, _SG)], si).wait()

        pltpu.sync_copy(src_hbm.at[pl.ds(row0, _SG)],
                        src_i.at[pl.ds(0, _SG)])
        pltpu.sync_copy(dst_hbm.at[pl.ds(row0, _SG)],
                        dst_i.at[pl.ds(0, _SG)])
        _fill_zeros_2d(zbuf, 64, d)
        r0 = s * rows_per_sub
        nz = rows_per_sub // 64
        for i in range(nz):
            pltpu.async_copy(zbuf, acc_sh.at[pl.ds(r0 + i * 64, 64)], ss0)
        for i in range(nz):
            pltpu.make_async_copy(zbuf, acc_sh.at[pl.ds(r0, 64)], ss0).wait()
        plsc.subcore_barrier()

        for k in range(_SG):
            b = k % 2
            if k >= 2:
                s_wait(b)
            g_start(k, b)
            if k >= 1:
                g_wait(b ^ 1)
                s_start(k - 1, b ^ 1)
        idx_prefetch(1, _SG)

        def body(sg, carry):
            idx_wait()
            hb = lax.rem(sg, 2) * _SG
            ob = _SG - hb
            for k in range(_SG):
                b = k % 2
                s_wait(b)
                g_start(hb + k, b)
                g_wait(b ^ 1)
                if k == 0:
                    s_start(ob + _SG - 1, b ^ 1)
                else:
                    s_start(hb + k - 1, b ^ 1)
            idx_prefetch(sg + 1, ob)
            return carry

        lax.fori_loop(1, nsg, body, 0)

        hb_last = ((nsg - 1) % 2) * _SG
        g_wait(1)
        s_start(hb_last + _SG - 1, 1)
        s_wait(0)
        s_wait(1)
        idx_wait()

        plsc.subcore_barrier()
        pltpu.sync_copy(acc_sh.at[pl.ds(r0, rows_per_sub)],
                        out_hbm.at[c, pl.ds(r0, rows_per_sub)])

    return agg_kernel(hs, src2, dst2)


def _tc_prep(x_pad, W1, degp, *, n_pad, f_in, h):

    def body(x_ref, w_ref, degp_ref, hs_ref, dinv_ref):
        deg = degp_ref[0, :] + degp_ref[1, :]
        dinv = lax.rsqrt(deg + 1.0)
        hw = jnp.dot(x_ref[...], w_ref[...], preferred_element_type=jnp.float32)
        hs_ref[...] = hw * dinv[:, None]
        dinv_ref[...] = dinv

    return pl.pallas_call(
        body,
        grid=(n_pad // _BR,),
        in_specs=[
            pl.BlockSpec((_BR, f_in), lambda i: (i, 0)),
            pl.BlockSpec((f_in, h), lambda i: (0, 0)),
            pl.BlockSpec((_NSC, _BR), lambda i: (0, i)),
        ],
        out_specs=[
            pl.BlockSpec((_BR, h), lambda i: (i, 0)),
            pl.BlockSpec((_BR,), lambda i: (i,)),
        ],
        out_shape=[
            jax.ShapeDtypeStruct((n_pad, h), jnp.float32),
            jax.ShapeDtypeStruct((n_pad,), jnp.float32),
        ],
    )(x_pad, W1, degp)


def _tc_mid(p1, hs1, dinv, b1, W2, *, n_pad, h):

    def body(p_ref, hs1_ref, dinv_ref, b1_ref, w2_ref, hs2_ref):
        dinv = dinv_ref[...]
        agg = p_ref[0] + p_ref[1] + hs1_ref[...]
        h1 = jnp.maximum(agg * dinv[:, None] + b1_ref[...][None, :], 0.0)
        hs2_ref[...] = (
            jnp.dot(h1, w2_ref[...], preferred_element_type=jnp.float32)
            * dinv[:, None])

    return pl.pallas_call(
        body,
        grid=(n_pad // _BR,),
        in_specs=[
            pl.BlockSpec((_NSC, _BR, h), lambda i: (0, i, 0)),
            pl.BlockSpec((_BR, h), lambda i: (i, 0)),
            pl.BlockSpec((_BR,), lambda i: (i,)),
            pl.BlockSpec((h,), lambda i: (0,)),
            pl.BlockSpec((h, h), lambda i: (0, 0)),
        ],
        out_specs=pl.BlockSpec((_BR, h), lambda i: (i, 0)),
        out_shape=jax.ShapeDtypeStruct((n_pad, h), jnp.float32),
    )(p1, hs1, dinv, b1, W2)


def _tc_final(p2, hs2, dinv, b2, batch, gf, Wl1a, Wl1b, bl1, Wl2, bl2,
              *, n, n_pad, h, ng, g, nc):
    nblocks = n_pad // _BR

    def body(p_ref, hs2_ref, dinv_ref, b2_ref, batch_ref, gf_ref,
             wl1a_ref, wl1b_ref, bl1_ref, wl2_ref, bl2_ref,
             z_ref, pooled_acc, counts_acc):
        i = pl.program_id(0)

        @pl.when(i == 0)
        def _():
            pooled_acc[...] = jnp.zeros_like(pooled_acc)
            counts_acc[...] = jnp.zeros_like(counts_acc)

        dinv = dinv_ref[...]
        rcol = lax.broadcasted_iota(jnp.int32, (_BR, 1), 0) + i * _BR
        h2 = ((p_ref[0] + p_ref[1] + hs2_ref[...]) * dinv[:, None]
              + b2_ref[...][None, :])
        h2 = jnp.where(rcol < n, h2, 0.0)
        b = batch_ref[...]
        gids = lax.broadcasted_iota(jnp.int32, (ng, _BR), 0)
        rrow = lax.broadcasted_iota(jnp.int32, (ng, _BR), 1) + i * _BR
        onehot = ((b[None, :] == gids) & (rrow < n)).astype(jnp.float32)
        pooled_acc[...] += jnp.dot(onehot, h2,
                                   preferred_element_type=jnp.float32)
        counts_acc[...] += jnp.sum(onehot, axis=1)[:, None]

        @pl.when(i == nblocks - 1)
        def _():
            pooled = pooled_acc[...] / jnp.maximum(counts_acc[...], 1.0)
            t = (jnp.dot(pooled, wl1a_ref[...],
                         preferred_element_type=jnp.float32)
                 + jnp.dot(gf_ref[...], wl1b_ref[...],
                           preferred_element_type=jnp.float32)
                 + bl1_ref[...][None, :])
            t = jnp.maximum(t, 0.0)
            z_ref[...] = (jnp.dot(t, wl2_ref[...],
                                  preferred_element_type=jnp.float32)
                          + bl2_ref[...][None, :])

    return pl.pallas_call(
        body,
        grid=(nblocks,),
        in_specs=[
            pl.BlockSpec((_NSC, _BR, h), lambda i: (0, i, 0)),
            pl.BlockSpec((_BR, h), lambda i: (i, 0)),
            pl.BlockSpec((_BR,), lambda i: (i,)),
            pl.BlockSpec((h,), lambda i: (0,)),
            pl.BlockSpec((_BR,), lambda i: (i,)),
            pl.BlockSpec((ng, g), lambda i: (0, 0)),
            pl.BlockSpec((h, h), lambda i: (0, 0)),
            pl.BlockSpec((g, h), lambda i: (0, 0)),
            pl.BlockSpec((h,), lambda i: (0,)),
            pl.BlockSpec((h, nc), lambda i: (0, 0)),
            pl.BlockSpec((nc,), lambda i: (0,)),
        ],
        out_specs=pl.BlockSpec((ng, nc), lambda i: (0, 0)),
        out_shape=jax.ShapeDtypeStruct((ng, nc), jnp.float32),
        scratch_shapes=[
            pltpu.VMEM((ng, h), jnp.float32),
            pltpu.VMEM((ng, h), jnp.float32),
        ],
    )(p2, hs2, dinv, b2, batch, gf, Wl1a, Wl1b, bl1, Wl2, bl2)


def kernel(x, edge_index, batch, global_features, W1, b1, W2, b2,
           Wl1, bl1, Wl2, bl2):
    n, f_in = x.shape
    h = W1.shape[1]
    e = edge_index.shape[1]
    ng, g = global_features.shape
    nc = Wl2.shape[1]

    n_pad = -(-(n + 1) // _BR) * _BR
    e_chunk = _NW * _CH * _SG
    e_pad = -(-e // e_chunk) * e_chunk

    n_dump = n_pad - n
    pad_idx = n + jnp.arange(e_pad - e, dtype=jnp.int32) % n_dump
    src = jnp.concatenate([edge_index[0], pad_idx])
    dst = jnp.concatenate([edge_index[1], pad_idx])

    src2 = src.reshape(e_pad // _CH, _CH)
    dst2 = dst.reshape(e_pad // _CH, _CH)

    degp = _sc_degree(dst2, n_pad=n_pad, e_pad=e_pad)
    hs1, dinv = _tc_prep(x, W1, degp, n_pad=n_pad, f_in=f_in, h=h)
    p1 = _sc_aggregate(hs1, src2, dst2, n_pad=n_pad, e_pad=e_pad, d=h)
    hs2 = _tc_mid(p1, hs1, dinv, b1, W2, n_pad=n_pad, h=h)
    p2 = _sc_aggregate(hs2, src2, dst2, n_pad=n_pad, e_pad=e_pad, d=h)
    z = _tc_final(p2, hs2, dinv, b2, batch, global_features,
                  Wl1[:h], Wl1[h:], bl1, Wl2, bl2,
                  n=n, n_pad=n_pad, h=h, ng=ng, g=g, nc=nc)
    return z

# --- scband reference (transcript-rebuilt; emitter-appended) ---
"""Pipeline reference for scband-gcn-63093069578889 (READ-ONLY COPY).

The authoritative reference and input builder live on the scoring server;
editing this copy changes nothing except your own understanding.
"""

import jax, jax.numpy as jnp
import numpy as np

N = 10000
E = 320000
F_IN = 128
H = 128
G = 16
NG = 64
NC = 10


def setup_inputs(seed: int = 0) -> dict:
    key = jax.random.key(seed)
    ks = jax.random.split(key, 12)
    x = jax.random.normal(ks[0], (N, F_IN), dtype=jnp.float32)
    edge_index = jax.random.randint(ks[1], (2, E), 0, N, dtype=jnp.int32)
    batch = jnp.sort(jax.random.randint(ks[2], (N,), 0, NG, dtype=jnp.int32))
    global_features = jax.random.normal(ks[3], (NG, G), dtype=jnp.float32)
    W1 = jax.random.normal(ks[4], (F_IN, H), dtype=jnp.float32) / np.sqrt(F_IN)
    b1 = jnp.zeros((H,), dtype=jnp.float32)
    W2 = jax.random.normal(ks[5], (H, H), dtype=jnp.float32) / np.sqrt(H)
    b2 = jnp.zeros((H,), dtype=jnp.float32)
    Wl1 = jax.random.normal(ks[6], (H + G, H), dtype=jnp.float32) / np.sqrt(H + G)
    bl1 = jnp.zeros((H,), dtype=jnp.float32)
    Wl2 = jax.random.normal(ks[7], (H, NC), dtype=jnp.float32) / np.sqrt(H)
    bl2 = jnp.zeros((NC,), dtype=jnp.float32)
    return {"x": x, "edge_index": edge_index, "batch": batch,
            "global_features": global_features,
            "W1": W1, "b1": b1, "W2": W2, "b2": b2,
            "Wl1": Wl1, "bl1": bl1, "Wl2": Wl2, "bl2": bl2}


def gcn_conv(x, edge_index, W, b):
    # GCNConv: D^{-1/2} (A + I) D^{-1/2} X W + b (add_self_loops=True, symmetric norm)
    n = x.shape[0]
    src = edge_index[0]
    dst = edge_index[1]
    loop = jnp.arange(n, dtype=src.dtype)
    src = jnp.concatenate([src, loop])
    dst = jnp.concatenate([dst, loop])
    deg = jax.ops.segment_sum(jnp.ones(src.shape[0], dtype=x.dtype), dst, num_segments=n)
    dinv = jnp.where(deg > 0, 1.0 / jnp.sqrt(deg), 0.0)
    norm = dinv[src] * dinv[dst]
    h = x @ W
    msg = h[src] * norm[:, None]
    out = jax.ops.segment_sum(msg, dst, num_segments=n)
    return out + b


def reference(x, edge_index, batch, global_features, W1, b1, W2, b2, Wl1, bl1, Wl2, bl2):
    h = jax.nn.relu(gcn_conv(x, edge_index, W1, b1))
    h = gcn_conv(h, edge_index, W2, b2)
    # global_mean_pool over batch assignment
    sums = jax.ops.segment_sum(h, batch, num_segments=NG)
    counts = jax.ops.segment_sum(jnp.ones((h.shape[0],), dtype=h.dtype), batch, num_segments=NG)
    pooled = sums / jnp.maximum(counts, 1.0)[:, None]
    z = jnp.concatenate([pooled, global_features], axis=1)
    z = jax.nn.relu(z @ Wl1 + bl1)
    # dropout p=0.5 is identity in eval mode
    z = z @ Wl2 + bl2
    return z

if __name__ == "__main__":
    import jax
    _d = setup_inputs()
    print(jax.jit(kernel)(*tuple(_d.values())))

</pallas_src>

<mosaic_0001>
#map = affine_map<(d0, d1) -> (0, 0)>
module attributes {stable_mosaic.version = 14 : i64} {
  func.func @deg_kernel(%arg0: i32, %arg1: i32, %arg2: memref<2560x128xi32, #tpu.memory_space<hbm>>, %arg3: memref<2x10240xf32, #tpu.memory_space<hbm>>, %arg4: memref<32x128xi32, #tpu.memory_space<vmem>>, %arg5: memref<128xf32, #tpu.memory_space<vmem>>, %arg6: memref<640xf32, #tpu.memory_space<vmem>>, %arg7: memref<10240xf32, #tpu.memory_space<vmem_shared>>, %arg8: memref<!tpu.dma_semaphore, #tpu.memory_space<semaphore_mem>>, %arg9: memref<!tpu.dma_semaphore, #tpu.memory_space<semaphore_mem>>) attributes {dimension_semantics = [#tpu.dimension_semantics<core_parallel>, #tpu.dimension_semantics<subcore_parallel>], iteration_bounds = array<i64: 2, 16>, scalar_prefetch = 0 : i64, scratch_operands = 6 : i64, tpu.core_type = #tpu.core_type<sc_vector_subcore>, window_params = [{transform_indices = #map}, {transform_indices = #map}]} {
    %mul3A = arith.constant 16 : i32
    %mul3A_0 = arith.muli %arg0, %mul3A : i32
    %add3A = arith.addi %mul3A_0, %arg1 : i32
    %mul3A_1 = arith.constant 80 : i32
    %mul3A_2 = arith.muli %add3A, %mul3A_1 : i32
    %broadcast_in_dim3A = arith.constant 1.000000e+00 : f32
    %broadcast_in_dim3A_3 = vector.broadcast %broadcast_in_dim3A : f32 to vector<16xf32>
    %swap3A = arith.constant 0 : index
    %swap3A_4 = tpu.vector_load %arg5[%swap3A] {strides = array<i32>} : memref<128xf32, #tpu.memory_space<vmem>>, vector<16xf32>,
    %swap3A_5 = vector.shape_cast %swap3A_4 : vector<16xf32> to vector<16xf32>
    %swap3A_6 = vector.shape_cast %broadcast_in_dim3A_3 : vector<16xf32> to vector<16xf32>
    tpu.vector_store %arg5[%swap3A], %swap3A_6 {strides = array<i32>} : memref<128xf32, #tpu.memory_space<vmem>>, vector<16xf32>,
    %swap3A_7 = arith.constant 16 : index
    %swap3A_8 = tpu.vector_load %arg5[%swap3A_7] {strides = array<i32>} : memref<128xf32, #tpu.memory_space<vmem>>, vector<16xf32>,
    %swap3A_9 = vector.shape_cast %swap3A_8 : vector<16xf32> to vector<16xf32>
    %swap3A_10 = vector.shape_cast %broadcast_in_dim3A_3 : vector<16xf32> to vector<16xf32>
    tpu.vector_store %arg5[%swap3A_7], %swap3A_10 {strides = array<i32>} : memref<128xf32, #tpu.memory_space<vmem>>, vector<16xf32>,
    %swap3A_11 = arith.constant 32 : index
    %swap3A_12 = tpu.vector_load %arg5[%swap3A_11] {strides = array<i32>} : memref<128xf32, #tpu.memory_space<vmem>>, vector<16xf32>,
    %swap3A_13 = vector.shape_cast %swap3A_12 : vector<16xf32> to vector<16xf32>
    %swap3A_14 = vector.shape_cast %broadcast_in_dim3A_3 : vector<16xf32> to vector<16xf32>
    tpu.vector_store %arg5[%swap3A_11], %swap3A_14 {strides = array<i32>} : memref<128xf32, #tpu.memory_space<vmem>>, vector<16xf32>,
    %swap3A_15 = arith.constant 48 : index
    %swap3A_16 = tpu.vector_load %arg5[%swap3A_15] {strides = array<i32>} : memref<128xf32, #tpu.memory_space<vmem>>, vector<16xf32>,
    %swap3A_17 = vector.shape_cast %swap3A_16 : vector<16xf32> to vector<16xf32>
    %swap3A_18 = vector.shape_cast %broadcast_in_dim3A_3 : vector<16xf32> to vector<16xf32>
    tpu.vector_store %arg5[%swap3A_15], %swap3A_18 {strides = array<i32>} : memref<128xf32, #tpu.memory_space<vmem>>, vector<16xf32>,
    %swap3A_19 = arith.constant 64 : index
    %swap3A_20 = tpu.vector_load %arg5[%swap3A_19] {strides = array<i32>} : memref<128xf32, #tpu.memory_space<vmem>>, vector<16xf32>,
    %swap3A_21 = vector.shape_cast %swap3A_20 : vector<16xf32> to vector<16xf32>
    %swap3A_22 = vector.shape_cast %broadcast_in_dim3A_3 : vector<16xf32> to vector<16xf32>
    tpu.vector_store %arg5[%swap3A_19], %swap3A_22 {strides = array<i32>} : memref<128xf32, #tpu.memory_space<vmem>>, vector<16xf32>,
    %swap3A_23 = arith.constant 80 : index
    %swap3A_24 = tpu.vector_load %arg5[%swap3A_23] {strides = array<i32>} : memref<128xf32, #tpu.memory_space<vmem>>, vector<16xf32>,
    %swap3A_25 = vector.shape_cast %swap3A_24 : vector<16xf32> to vector<16xf32>
    %swap3A_26 = vector.shape_cast %broadcast_in_dim3A_3 : vector<16xf32> to vector<16xf32>
    tpu.vector_store %arg5[%swap3A_23], %swap3A_26 {strides = array<i32>} : memref<128xf32, #tpu.memory_space<vmem>>, vector<16xf32>,
    %swap3A_27 = arith.constant 96 : index
    %swap3A_28 = tpu.vector_load %arg5[%swap3A_27] {strides = array<i32>} : memref<128xf32, #tpu.memory_space<vmem>>, vector<16xf32>,
    %swap3A_29 = vector.shape_cast %swap3A_28 : vector<16xf32> to vector<16xf32>
    %swap3A_30 = vector.shape_cast %broadcast_in_dim3A_3 : vector<16xf32> to vector<16xf32>
    tpu.vector_store %arg5[%swap3A_27], %swap3A_30 {strides = array<i32>} : memref<128xf32, #tpu.memory_space<vmem>>, vector<16xf32>,
    %swap3A_31 = arith.constant 112 : index
    %swap3A_32 = tpu.vector_load %arg5[%swap3A_31] {strides = array<i32>} : memref<128xf32, #tpu.memory_space<vmem>>, vector<16xf32>,
    %swap3A_33 = vector.shape_cast %swap3A_32 : vector<16xf32> to vector<16xf32>
    %swap3A_34 = vector.shape_cast %broadcast_in_dim3A_3 : vector<16xf32> to vector<16xf32>
    tpu.vector_store %arg5[%swap3A_31], %swap3A_34 {strides = array<i32>} : memref<128xf32, #tpu.memory_space<vmem>>, vector<16xf32>,
    "tpu.region"() ({
      %run_scoped3A = tpu.sem_alloc : memref<!tpu.dma_semaphore, #tpu.memory_space<semaphore_mem>>
      %dma_start3A_388 = arith.constant 0 : i32
      %dma_start3A_389 = arith.constant 0 : i32
      %dma_start3A_390 = tpu.memref_slice %arg4[%dma_start3A_388, %dma_start3A_389] : memref<32x128xi32, #tpu.memory_space<vmem>> -> memref<16x128xi32, #tpu.memory_space<vmem>>
      %dma_start3A_391 = arith.constant 0 : i32
      %dma_start3A_392 = tpu.memref_slice %arg2[%mul3A_2, %dma_start3A_391] : memref<2560x128xi32, #tpu.memory_space<hbm>> -> memref<16x128xi32, #tpu.memory_space<hbm>>
      %dma_start3A_393 = arith.constant 0 : i32
      %dma_start3A_394 = arith.constant 0 : i32
      %dma_start3A_395 = tpu.memref_slice %arg4[%dma_start3A_393, %dma_start3A_394] : memref<32x128xi32, #tpu.memory_space<vmem>> -> memref<16x128xi32, #tpu.memory_space<vmem>>
      %dma_start3A_396 = arith.constant 0 : i32
      %dma_start3A_397 = tpu.memref_slice %arg2[%mul3A_2, %dma_start3A_396] : memref<2560x128xi32, #tpu.memory_space<hbm>> -> memref<16x128xi32, #tpu.memory_space<hbm>>
      tpu.enqueue_dma source(%dma_start3A_397 : memref<16x128xi32, #tpu.memory_space<hbm>>) target(%dma_start3A_395 : memref<16x128xi32, #tpu.memory_space<vmem>>) target_semaphore(%run_scoped3A : memref<!tpu.dma_semaphore, #tpu.memory_space<semaphore_mem>>)
      %dma_wait3A_398 = arith.constant 0 : i32
      %dma_wait3A_399 = arith.constant 0 : i32
      %dma_wait3A_400 = tpu.memref_slice %arg4[%dma_wait3A_398, %dma_wait3A_399] : memref<32x128xi32, #tpu.memory_space<vmem>> -> memref<16x128xi32, #tpu.memory_space<vmem>>
      %dma_wait3A_401 = arith.constant 0 : i32
      %dma_wait3A_402 = tpu.memref_slice %arg2[%mul3A_2, %dma_wait3A_401] : memref<2560x128xi32, #tpu.memory_space<hbm>> -> memref<16x128xi32, #tpu.memory_space<hbm>>
      %dma_wait3A_403 = arith.constant 0 : i32
      %dma_wait3A_404 = arith.constant 0 : i32
      %dma_wait3A_405 = tpu.memref_slice %arg4[%dma_wait3A_403, %dma_wait3A_404] : memref<32x128xi32, #tpu.memory_space<vmem>> -> memref<16x128xi32, #tpu.memory_space<vmem>>
      %dma_wait3A_406 = arith.constant 0 : i32
      %dma_wait3A_407 = tpu.memref_slice %arg2[%mul3A_2, %dma_wait3A_406] : memref<2560x128xi32, #tpu.memory_space<hbm>> -> memref<16x128xi32, #tpu.memory_space<hbm>>
      tpu.wait_dma2 semaphore(%run_scoped3A : memref<!tpu.dma_semaphore, #tpu.memory_space<semaphore_mem>>) src(%dma_wait3A_407 : memref<16x128xi32, #tpu.memory_space<hbm>>) dst(%dma_wait3A_405 : memref<16x128xi32, #tpu.memory_space<vmem>>)
      tpu.yield
    }) : () -> ()
    %broadcast_in_dim3A_35 = arith.constant 0.000000e+00 : f32
    %broadcast_in_dim3A_36 = vector.broadcast %broadcast_in_dim3A_35 : f32 to vector<16xf32>
    %swap3A_37 = arith.constant 0 : index
    %swap3A_38 = tpu.vector_load %arg6[%swap3A_37] {strides = array<i32>} : memref<640xf32, #tpu.memory_space<vmem>>, vector<16xf32>,
    %swap3A_39 = vector.shape_cast %swap3A_38 : vector<16xf32> to vector<16xf32>
    %swap3A_40 = vector.shape_cast %broadcast_in_dim3A_36 : vector<16xf32> to vector<16xf32>
    tpu.vector_store %arg6[%swap3A_37], %swap3A_40 {strides = array<i32>} : memref<640xf32, #tpu.memory_space<vmem>>, vector<16xf32>,
    %swap3A_41 = arith.constant 16 : index
    %swap3A_42 = tpu.vector_load %arg6[%swap3A_41] {strides = array<i32>} : memref<640xf32, #tpu.memory_space<vmem>>, vector<16xf32>,
    %swap3A_43 = vector.shape_cast %swap3A_42 : vector<16xf32> to vector<16xf32>
    %swap3A_44 = vector.shape_cast %broadcast_in_dim3A_36 : vector<16xf32> to vector<16xf32>
    tpu.vector_store %arg6[%swap3A_41], %swap3A_44 {strides = array<i32>} : memref<640xf32, #tpu.memory_space<vmem>>, vector<16xf32>,
    %swap3A_45 = arith.constant 32 : index
    %swap3A_46 = tpu.vector_load %arg6[%swap3A_45] {strides = array<i32>} : memref<640xf32, #tpu.memory_space<vmem>>, vector<16xf32>,
    %swap3A_47 = vector.shape_cast %swap3A_46 : vector<16xf32> to vector<16xf32>
    %swap3A_48 = vector.shape_cast %broadcast_in_dim3A_36 : vector<16xf32> to vector<16xf32>
    tpu.vector_store %arg6[%swap3A_45], %swap3A_48 {strides = array<i32>} : memref<640xf32, #tpu.memory_space<vmem>>, vector<16xf32>,
    %swap3A_49 = arith.constant 48 : index
    %swap3A_50 = tpu.vector_load %arg6[%swap3A_49] {strides = array<i32>} : memref<640xf32, #tpu.memory_space<vmem>>, vector<16xf32>,
    %swap3A_51 = vector.shape_cast %swap3A_50 : vector<16xf32> to vector<16xf32>
    %swap3A_52 = vector.shape_cast %broadcast_in_dim3A_36 : vector<16xf32> to vector<16xf32>
    tpu.vector_store %arg6[%swap3A_49], %swap3A_52 {strides = array<i32>} : memref<640xf32, #tpu.memory_space<vmem>>, vector<16xf32>,
    %swap3A_53 = arith.constant 64 : index
    %swap3A_54 = tpu.vector_load %arg6[%swap3A_53] {strides = array<i32>} : memref<640xf32, #tpu.memory_space<vmem>>, vector<16xf32>,
    %swap3A_55 = vector.shape_cast %swap3A_54 : vector<16xf32> to vector<16xf32>
    %swap3A_56 = vector.shape_cast %broadcast_in_dim3A_36 : vector<16xf32> to vector<16xf32>
    tpu.vector_store %arg6[%swap3A_53], %swap3A_56 {strides = array<i32>} : memref<640xf32, #tpu.memory_space<vmem>>, vector<16xf32>,
    %swap3A_57 = arith.constant 80 : index
    %swap3A_58 = tpu.vector_load %arg6[%swap3A_57] {strides = array<i32>} : memref<640xf32, #tpu.memory_space<vmem>>, vector<16xf32>,
    %swap3A_59 = vector.shape_cast %swap3A_58 : vector<16xf32> to vector<16xf32>
    %swap3A_60 = vector.shape_cast %broadcast_in_dim3A_36 : vector<16xf32> to vector<16xf32>
    tpu.vector_store %arg6[%swap3A_57], %swap3A_60 {strides = array<i32>} : memref<640xf32, #tpu.memory_space<vmem>>, vector<16xf32>,
    %swap3A_61 = arith.constant 96 : index
    %swap3A_62 = tpu.vector_load %arg6[%swap3A_61] {strides = array<i32>} : memref<640xf32, #tpu.memory_space<vmem>>, vector<16xf32>,
    %swap3A_63 = vector.shape_cast %swap3A_62 : vector<16xf32> to vector<16xf32>
    %swap3A_64 = vector.shape_cast %broadcast_in_dim3A_36 : vector<16xf32> to vector<16xf32>
    tpu.vector_store %arg6[%swap3A_61], %swap3A_64 {strides = array<i32>} : memref<640xf32, #tpu.memory_space<vmem>>, vector<16xf32>,
    %swap3A_65 = arith.constant 112 : index
    %swap3A_66 = tpu.vector_load %arg6[%swap3A_65] {strides = array<i32>} : memref<640xf32, #tpu.memory_space<vmem>>, vector<16xf32>,
    %swap3A_67 = vector.shape_cast %swap3A_66 : vector<16xf32> to vector<16xf32>
    %swap3A_68 = vector.shape_cast %broadcast_in_dim3A_36 : vector<16xf32> to vector<16xf32>
    tpu.vector_store %arg6[%swap3A_65], %swap3A_68 {strides = array<i32>} : memref<640xf32, #tpu.memory_space<vmem>>, vector<16xf32>,
    %swap3A_69 = arith.constant 128 : index
    %swap3A_70 = tpu.vector_load %arg6[%swap3A_69] {strides = array<i32>} : memref<640xf32, #tpu.memory_space<vmem>>, vector<16xf32>,
    %swap3A_71 = vector.shape_cast %swap3A_70 : vector<16xf32> to vector<16xf32>
    %swap3A_72 = vector.shape_cast %broadcast_in_dim3A_36 : vector<16xf32> to vector<16xf32>
    tpu.vector_store %arg6[%swap3A_69], %swap3A_72 {strides = array<i32>} : memref<640xf32, #tpu.memory_space<vmem>>, vector<16xf32>,
    %swap3A_73 = arith.constant 144 : index
    %swap3A_74 = tpu.vector_load %arg6[%swap3A_73] {strides = array<i32>} : memref<640xf32, #tpu.memory_space<vmem>>, vector<16xf32>,
    %swap3A_75 = vector.shape_cast %swap3A_74 : vector<16xf32> to vector<16xf32>
    %swap3A_76 = vector.shape_cast %broadcast_in_dim3A_36 : vector<16xf32> to vector<16xf32>
    tpu.vector_store %arg6[%swap3A_73], %swap3A_76 {strides = array<i32>} : memref<640xf32, #tpu.memory_space<vmem>>, vector<16xf32>,
    %swap3A_77 = arith.constant 160 : index
    %swap3A_78 = tpu.vector_load %arg6[%swap3A_77] {strides = array<i32>} : memref<640xf32, #tpu.memory_space<vmem>>, vector<16xf32>,
    %swap3A_79 = vector.shape_cast %swap3A_78 : vector<16xf32> to vector<16xf32>
    %swap3A_80 = vector.shape_cast %broadcast_in_dim3A_36 : vector<16xf32> to vector<16xf32>
    tpu.vector_store %arg6[%swap3A_77], %swap3A_80 {strides = array<i32>} : memref<640xf32, #tpu.memory_space<vmem>>, vector<16xf32>,
    %swap3A_81 = arith.constant 176 : index
    %swap3A_82 = tpu.vector_load %arg6[%swap3A_81] {strides = array<i32>} : memref<640xf32, #tpu.memory_space<vmem>>, vector<16xf32>,
    %swap3A_83 = vector.shape_cast %swap3A_82 : vector<16xf32> to vector<16xf32>
    %swap3A_84 = vector.shape_cast %broadcast_in_dim3A_36 : vector<16xf32> to vector<16xf32>
    tpu.vector_store %arg6[%swap3A_81], %swap3A_84 {strides = array<i32>} : memref<640xf32, #tpu.memory_space<vmem>>, vector<16xf32>,
    %swap3A_85 = arith.constant 192 : index
    %swap3A_86 = tpu.vector_load %arg6[%swap3A_85] {strides = array<i32>} : memref<640xf32, #tpu.memory_space<vmem>>, vector<16xf32>,
    %swap3A_87 = vector.shape_cast %swap3A_86 : vector<16xf32> to vector<16xf32>
    %swap3A_88 = vector.shape_cast %broadcast_in_dim3A_36 : vector<16xf32> to vector<16xf32>
    tpu.vector_store %arg6[%swap3A_85], %swap3A_88 {strides = array<i32>} : memref<640xf32, #tpu.memory_space<vmem>>, vector<16xf32>,
    %swap3A_89 = arith.constant 208 : index
    %swap3A_90 = tpu.vector_load %arg6[%swap3A_89] {strides = array<i32>} : memref<640xf32, #tpu.memory_space<vmem>>, vector<16xf32>,
    %swap3A_91 = vector.shape_cast %swap3A_90 : vector<16xf32> to vector<16xf32>
    %swap3A_92 = vector.shape_cast %broadcast_in_dim3A_36 : vector<16xf32> to vector<16xf32>
    tpu.vector_store %arg6[%swap3A_89], %swap3A_92 {strides = array<i32>} : memref<640xf32, #tpu.memory_space<vmem>>, vector<16xf32>,
    %swap3A_93 = arith.constant 224 : index
    %swap3A_94 = tpu.vector_load %arg6[%swap3A_93] {strides = array<i32>} : memref<640xf32, #tpu.memory_space<vmem>>, vector<16xf32>,
    %swap3A_95 = vector.shape_cast %swap3A_94 : vector<16xf32> to vector<16xf32>
    %swap3A_96 = vector.shape_cast %broadcast_in_dim3A_36 : vector<16xf32> to vector<16xf32>
    tpu.vector_store %arg6[%swap3A_93], %swap3A_96 {strides = array<i32>} : memref<640xf32, #tpu.memory_space<vmem>>, vector<16xf32>,
    %swap3A_97 = arith.constant 240 : index
    %swap3A_98 = tpu.vector_load %arg6[%swap3A_97] {strides = array<i32>} : memref<640xf32, #tpu.memory_space<vmem>>, vector<16xf32>,
    %swap3A_99 = vector.shape_cast %swap3A_98 : vector<16xf32> to vector<16xf32>
    %swap3A_100 = vector.shape_cast %broadcast_in_dim3A_36 : vector<16xf32> to vector<16xf32>
    tpu.vector_store %arg6[%swap3A_97], %swap3A_100 {strides = array<i32>} : memref<640xf32, #tpu.memory_space<vmem>>, vector<16xf32>,
    %swap3A_101 = arith.constant 256 : index
    %swap3A_102 = tpu.vector_load %arg6[%swap3A_101] {strides = array<i32>} : memref<640xf32, #tpu.memory_space<vmem>>, vector<16xf32>,
    %swap3A_103 = vector.shape_cast %swap3A_102 : vector<16xf32> to vector<16xf32>
    %swap3A_104 = vector.shape_cast %broadcast_in_dim3A_36 : vector<16xf32> to vector<16xf32>
    tpu.vector_store %arg6[%swap3A_101], %swap3A_104 {strides = array<i32>} : memref<640xf32, #tpu.memory_space<vmem>>, vector<16xf32>,
    %swap3A_105 = arith.constant 272 : index
    %swap3A_106 = tpu.vector_load %arg6[%swap3A_105] {strides = array<i32>} : memref<640xf32, #tpu.memory_space<vmem>>, vector<16xf32>,
    %swap3A_107 = vector.shape_cast %swap3A_106 : vector<16xf32> to vector<16xf32>
    %swap3A_108 = vector.shape_cast %broadcast_in_dim3A_36 : vector<16xf32> to vector<16xf32>
    tpu.vector_store %arg6[%swap3A_105], %swap3A_108 {strides = array<i32>} : memref<640xf32, #tpu.memory_space<vmem>>, vector<16xf32>,
    %swap3A_109 = arith.constant 288 : index
    %swap3A_110 = tpu.vector_load %arg6[%swap3A_109] {strides = array<i32>} : memref<640xf32, #tpu.memory_space<vmem>>, vector<16xf32>,
    %swap3A_111 = vector.shape_cast %swap3A_110 : vector<16xf32> to vector<16xf32>
    %swap3A_112 = vector.shape_cast %broadcast_in_dim3A_36 : vector<16xf32> to vector<16xf32>
    tpu.vector_store %arg6[%swap3A_109], %swap3A_112 {strides = array<i32>} : memref<640xf32, #tpu.memory_space<vmem>>, vector<16xf32>,
    %swap3A_113 = arith.constant 304 : index
    %swap3A_114 = tpu.vector_load %arg6[%swap3A_113] {strides = array<i32>} : memref<640xf32, #tpu.memory_space<vmem>>, vector<16xf32>,
    %swap3A_115 = vector.shape_cast %swap3A_114 : vector<16xf32> to vector<16xf32>
    %swap3A_116 = vector.shape_cast %broadcast_in_dim3A_36 : vector<16xf32> to vector<16xf32>
    tpu.vector_store %arg6[%swap3A_113], %swap3A_116 {strides = array<i32>} : memref<640xf32, #tpu.memory_space<vmem>>, vector<16xf32>,
    %swap3A_117 = arith.constant 320 : index
    %swap3A_118 = tpu.vector_load %arg6[%swap3A_117] {strides = array<i32>} : memref<640xf32, #tpu.memory_space<vmem>>, vector<16xf32>,
    %swap3A_119 = vector.shape_cast %swap3A_118 : vector<16xf32> to vector<16xf32>
    %swap3A_120 = vector.shape_cast %broadcast_in_dim3A_36 : vector<16xf32> to vector<16xf32>
    tpu.vector_store %arg6[%swap3A_117], %swap3A_120 {strides = array<i32>} : memref<640xf32, #tpu.memory_space<vmem>>, vector<16xf32>,
    %swap3A_121 = arith.constant 336 : index
    %swap3A_122 = tpu.vector_load %arg6[%swap3A_121] {strides = array<i32>} : memref<640xf32, #tpu.memory_space<vmem>>, vector<16xf32>,
    %swap3A_123 = vector.shape_cast %swap3A_122 : vector<16xf32> to vector<16xf32>
    %swap3A_124 = vector.shape_cast %broadcast_in_dim3A_36 : vector<16xf32> to vector<16xf32>
    tpu.vector_store %arg6[%swap3A_121], %swap3A_124 {strides = array<i32>} : memref<640xf32, #tpu.memory_space<vmem>>, vector<16xf32>,
    %swap3A_125 = arith.constant 352 : index
    %swap3A_126 = tpu.vector_load %arg6[%swap3A_125] {strides = array<i32>} : memref<640xf32, #tpu.memory_space<vmem>>, vector<16xf32>,
    %swap3A_127 = vector.shape_cast %swap3A_126 : vector<16xf32> to vector<16xf32>
    %swap3A_128 = vector.shape_cast %broadcast_in_dim3A_36 : vector<16xf32> to vector<16xf32>
    tpu.vector_store %arg6[%swap3A_125], %swap3A_128 {strides = array<i32>} : memref<640xf32, #tpu.memory_space<vmem>>, vector<16xf32>,
    %swap3A_129 = arith.constant 368 : index
    %swap3A_130 = tpu.vector_load %arg6[%swap3A_129] {strides = array<i32>} : memref<640xf32, #tpu.memory_space<vmem>>, vector<16xf32>,
    %swap3A_131 = vector.shape_cast %swap3A_130 : vector<16xf32> to vector<16xf32>
    %swap3A_132 = vector.shape_cast %broadcast_in_dim3A_36 : vector<16xf32> to vector<16xf32>
    tpu.vector_store %arg6[%swap3A_129], %swap3A_132 {strides = array<i32>} : memref<640xf32, #tpu.memory_space<vmem>>, vector<16xf32>,
    %swap3A_133 = arith.constant 384 : index
    %swap3A_134 = tpu.vector_load %arg6[%swap3A_133] {strides = array<i32>} : memref<640xf32, #tpu.memory_space<vmem>>, vector<16xf32>,
    %swap3A_135 = vector.shape_cast %swap3A_134 : vector<16xf32> to vector<16xf32>
    %swap3A_136 = vector.shape_cast %broadcast_in_dim3A_36 : vector<16xf32> to vector<16xf32>
    tpu.vector_store %arg6[%swap3A_133], %swap3A_136 {strides = array<i32>} : memref<640xf32, #tpu.memory_space<vmem>>, vector<16xf32>,
    %swap3A_137 = arith.constant 400 : index
    %swap3A_138 = tpu.vector_load %arg6[%swap3A_137] {strides = array<i32>} : memref<640xf32, #tpu.memory_space<vmem>>, vector<16xf32>,
    %swap3A_139 = vector.shape_cast %swap3A_138 : vector<16xf32> to vector<16xf32>
    %swap3A_140 = vector.shape_cast %broadcast_in_dim3A_36 : vector<16xf32> to vector<16xf32>
    tpu.vector_store %arg6[%swap3A_137], %swap3A_140 {strides = array<i32>} : memref<640xf32, #tpu.memory_space<vmem>>, vector<16xf32>,
    %swap3A_141 = arith.constant 416 : index
    %swap3A_142 = tpu.vector_load %arg6[%swap3A_141] {strides = array<i32>} : memref<640xf32, #tpu.memory_space<vmem>>, vector<16xf32>,
    %swap3A_143 = vector.shape_cast %swap3A_142 : vector<16xf32> to vector<16xf32>
    %swap3A_144 = vector.shape_cast %broadcast_in_dim3A_36 : vector<16xf32> to vector<16xf32>
    tpu.vector_store %arg6[%swap3A_141], %swap3A_144 {strides = array<i32>} : memref<640xf32, #tpu.memory_space<vmem>>, vector<16xf32>,
    %swap3A_145 = arith.constant 432 : index
    %swap3A_146 = tpu.vector_load %arg6[%swap3A_145] {strides = array<i32>} : memref<640xf32, #tpu.memory_space<vmem>>, vector<16xf32>,
    %swap3A_147 = vector.shape_cast %swap3A_146 : vector<16xf32> to vector<16xf32>
    %swap3A_148 = vector.shape_cast %broadcast_in_dim3A_36 : vector<16xf32> to vector<16xf32>
    tpu.vector_store %arg6[%swap3A_145], %swap3A_148 {strides = array<i32>} : memref<640xf32, #tpu.memory_space<vmem>>, vector<16xf32>,
    %swap3A_149 = arith.constant 448 : index
    %swap3A_150 = tpu.vector_load %arg6[%swap3A_149] {strides = array<i32>} : memref<640xf32, #tpu.memory_space<vmem>>, vector<16xf32>,
    %swap3A_151 = vector.shape_cast %swap3A_150 : vector<16xf32> to vector<16xf32>
    %swap3A_152 = vector.shape_cast %broadcast_in_dim3A_36 : vector<16xf32> to vector<16xf32>
    tpu.vector_store %arg6[%swap3A_149], %swap3A_152 {strides = array<i32>} : memref<640xf32, #tpu.memory_space<vmem>>, vector<16xf32>,
    %swap3A_153 = arith.constant 464 : index
    %swap3A_154 = tpu.vector_load %arg6[%swap3A_153] {strides = array<i32>} : memref<640xf32, #tpu.memory_space<vmem>>, vector<16xf32>,
    %swap3A_155 = vector.shape_cast %swap3A_154 : vector<16xf32> to vector<16xf32>
    %swap3A_156 = vector.shape_cast %broadcast_in_dim3A_36 : vector<16xf32> to vector<16xf32>
    tpu.vector_store %arg6[%swap3A_153], %swap3A_156 {strides = array<i32>} : memref<640xf32, #tpu.memory_space<vmem>>, vector<16xf32>,
    %swap3A_157 = arith.constant 480 : index
    %swap3A_158 = tpu.vector_load %arg6[%swap3A_157] {strides = array<i32>} : memref<640xf32, #tpu.memory_space<vmem>>, vector<16xf32>,
    %swap3A_159 = vector.shape_cast %swap3A_158 : vector<16xf32> to vector<16xf32>
    %swap3A_160 = vector.shape_cast %broadcast_in_dim3A_36 : vector<16xf32> to vector<16xf32>
    tpu.vector_store %arg6[%swap3A_157], %swap3A_160 {strides = array<i32>} : memref<640xf32, #tpu.memory_space<vmem>>, vector<16xf32>,
    %swap3A_161 = arith.constant 496 : index
    %swap3A_162 = tpu.vector_load %arg6[%swap3A_161] {strides = array<i32>} : memref<640xf32, #tpu.memory_space<vmem>>, vector<16xf32>,
    %swap3A_163 = vector.shape_cast %swap3A_162 : vector<16xf32> to vector<16xf32>
    %swap3A_164 = vector.shape_cast %broadcast_in_dim3A_36 : vector<16xf32> to vector<16xf32>
    tpu.vector_store %arg6[%swap3A_161], %swap3A_164 {strides = array<i32>} : memref<640xf32, #tpu.memory_space<vmem>>, vector<16xf32>,
    %swap3A_165 = arith.constant 512 : index
    %swap3A_166 = tpu.vector_load %arg6[%swap3A_165] {strides = array<i32>} : memref<640xf32, #tpu.memory_space<vmem>>, vector<16xf32>,
    %swap3A_167 = vector.shape_cast %swap3A_166 : vector<16xf32> to vector<16xf32>
    %swap3A_168 = vector.shape_cast %broadcast_in_dim3A_36 : vector<16xf32> to vector<16xf32>
    tpu.vector_store %arg6[%swap3A_165], %swap3A_168 {strides = array<i32>} : memref<640xf32, #tpu.memory_space<vmem>>, vector<16xf32>,
    %swap3A_169 = arith.constant 528 : index
    %swap3A_170 = tpu.vector_load %arg6[%swap3A_169] {strides = array<i32>} : memref<640xf32, #tpu.memory_space<vmem>>, vector<16xf32>,
    %swap3A_171 = vector.shape_cast %swap3A_170 : vector<16xf32> to vector<16xf32>
    %swap3A_172 = vector.shape_cast %broadcast_in_dim3A_36 : vector<16xf32> to vector<16xf32>
    tpu.vector_store %arg6[%swap3A_169], %swap3A_172 {strides = array<i32>} : memref<640xf32, #tpu.memory_space<vmem>>, vector<16xf32>,
    %swap3A_173 = arith.constant 544 : index
    %swap3A_174 = tpu.vector_load %arg6[%swap3A_173] {strides = array<i32>} : memref<640xf32, #tpu.memory_space<vmem>>, vector<16xf32>,
    %swap3A_175 = vector.shape_cast %swap3A_174 : vector<16xf32> to vector<16xf32>
    %swap3A_176 = vector.shape_cast %broadcast_in_dim3A_36 : vector<16xf32> to vector<16xf32>
    tpu.vector_store %arg6[%swap3A_173], %swap3A_176 {strides = array<i32>} : memref<640xf32, #tpu.memory_space<vmem>>, vector<16xf32>,
    %swap3A_177 = arith.constant 560 : index
    %swap3A_178 = tpu.vector_load %arg6[%swap3A_177] {strides = array<i32>} : memref<640xf32, #tpu.memory_space<vmem>>, vector<16xf32>,
    %swap3A_179 = vector.shape_cast %swap3A_178 : vector<16xf32> to vector<16xf32>
    %swap3A_180 = vector.shape_cast %broadcast_in_dim3A_36 : vector<16xf32> to vector<16xf32>
    tpu.vector_store %arg6[%swap3A_177], %swap3A_180 {strides = array<i32>} : memref<640xf32, #tpu.memory_space<vmem>>, vector<16xf32>,
    %swap3A_181 = arith.constant 576 : index
    %swap3A_182 = tpu.vector_load %arg6[%swap3A_181] {strides = array<i32>} : memref<640xf32, #tpu.memory_space<vmem>>, vector<16xf32>,
    %swap3A_183 = vector.shape_cast %swap3A_182 : vector<16xf32> to vector<16xf32>
    %swap3A_184 = vector.shape_cast %broadcast_in_dim3A_36 : vector<16xf32> to vector<16xf32>
    tpu.vector_store %arg6[%swap3A_181], %swap3A_184 {strides = array<i32>} : memref<640xf32, #tpu.memory_space<vmem>>, vector<16xf32>,
    %swap3A_185 = arith.constant 592 : index
    %swap3A_186 = tpu.vector_load %arg6[%swap3A_185] {strides = array<i32>} : memref<640xf32, #tpu.memory_space<vmem>>, vector<16xf32>,
    %swap3A_187 = vector.shape_cast %swap3A_186 : vector<16xf32> to vector<16xf32>
    %swap3A_188 = vector.shape_cast %broadcast_in_dim3A_36 : vector<16xf32> to vector<16xf32>
    tpu.vector_store %arg6[%swap3A_185], %swap3A_188 {strides = array<i32>} : memref<640xf32, #tpu.memory_space<vmem>>, vector<16xf32>,
    %swap3A_189 = arith.constant 608 : index
    %swap3A_190 = tpu.vector_load %arg6[%swap3A_189] {strides = array<i32>} : memref<640xf32, #tpu.memory_space<vmem>>, vector<16xf32>,
    %swap3A_191 = vector.shape_cast %swap3A_190 : vector<16xf32> to vector<16xf32>
    %swap3A_192 = vector.shape_cast %broadcast_in_dim3A_36 : vector<16xf32> to vector<16xf32>
    tpu.vector_store %arg6[%swap3A_189], %swap3A_192 {strides = array<i32>} : memref<640xf32, #tpu.memory_space<vmem>>, vector<16xf32>,
    %swap3A_193 = arith.constant 624 : index
    %swap3A_194 = tpu.vector_load %arg6[%swap3A_193] {strides = array<i32>} : memref<640xf32, #tpu.memory_space<vmem>>, vector<16xf32>,
    %swap3A_195 = vector.shape_cast %swap3A_194 : vector<16xf32> to vector<16xf32>
    %swap3A_196 = vector.shape_cast %broadcast_in_dim3A_36 : vector<16xf32> to vector<16xf32>
    tpu.vector_store %arg6[%swap3A_193], %swap3A_196 {strides = array<i32>} : memref<640xf32, #tpu.memory_space<vmem>>, vector<16xf32>,
    %mul3A_197 = arith.constant 640 : i32
    %mul3A_198 = arith.muli %arg1, %mul3A_197 : i32
    "tpu.region"() ({
      %run_scoped3A = tpu.sem_alloc : memref<!tpu.dma_semaphore, #tpu.memory_space<semaphore_mem>>
      %dma_start3A_388 = tpu.memref_slice %arg7[%mul3A_198] : memref<10240xf32, #tpu.memory_space<vmem_shared>> -> memref<640xf32, #tpu.memory_space<vmem_shared>>
      %dma_start3A_389 = tpu.memref_slice %arg7[%mul3A_198] : memref<10240xf32, #tpu.memory_space<vmem_shared>> -> memref<640xf32, #tpu.memory_space<vmem_shared>>
      tpu.enqueue_dma source(%arg6 : memref<640xf32, #tpu.memory_space<vmem>>) target(%dma_start3A_389 : memref<640xf32, #tpu.memory_space<vmem_shared>>) target_semaphore(%run_scoped3A : memref<!tpu.dma_semaphore, #tpu.memory_space<semaphore_mem>>)
      %dma_wait3A_390 = tpu.memref_slice %arg7[%mul3A_198] : memref<10240xf32, #tpu.memory_space<vmem_shared>> -> memref<640xf32, #tpu.memory_space<vmem_shared>>
      %dma_wait3A_391 = tpu.memref_slice %arg7[%mul3A_198] : memref<10240xf32, #tpu.memory_space<vmem_shared>> -> memref<640xf32, #tpu.memory_space<vmem_shared>>
      tpu.wait_dma2 semaphore(%run_scoped3A : memref<!tpu.dma_semaphore, #tpu.memory_space<semaphore_mem>>) src(%arg6 : memref<640xf32, #tpu.memory_space<vmem>>) dst(%dma_wait3A_391 : memref<640xf32, #tpu.memory_space<vmem_shared>>)
      tpu.yield
    }) : () -> ()
    %barrier3A = arith.constant 0 : index
    tpu.barrier barrier_id(%barrier3A)
    %dma_start3A = arith.constant 0 : i32
    %dma_start3A_199 = arith.constant 0 : i32
    %dma_start3A_200 = tpu.memref_slice %arg4[%dma_start3A, %dma_start3A_199] : memref<32x128xi32, #tpu.memory_space<vmem>> -> memref<1x128xi32, #tpu.memory_space<vmem>>
    %dma_start3A_201 = tpu.memref_squeeze %dma_start3A_200 : memref<1x128xi32, #tpu.memory_space<vmem>> -> memref<128xi32, #tpu.memory_space<vmem>>
    %dma_start3A_202 = arith.constant 0 : i32
    %dma_start3A_203 = tpu.memref_slice %arg7[%dma_start3A_202] : memref<10240xf32, #tpu.memory_space<vmem_shared>> -> memref<10240xf32, #tpu.memory_space<vmem_shared>>
    tpu.enqueue_indirect_dma source(%arg5 : memref<128xf32, #tpu.memory_space<vmem>>) target(%dma_start3A_203 : memref<10240xf32, #tpu.memory_space<vmem_shared>>) offsets(%dma_start3A_201 : memref<128xi32, #tpu.memory_space<vmem>>) semaphore(%arg8 : memref<!tpu.dma_semaphore, #tpu.memory_space<semaphore_mem>>) {add = true}
    %dma_start3A_204 = arith.constant 1 : i32
    %dma_start3A_205 = arith.constant 0 : i32
    %dma_start3A_206 = tpu.memref_slice %arg4[%dma_start3A_204, %dma_start3A_205] : memref<32x128xi32, #tpu.memory_space<vmem>> -> memref<1x128xi32, #tpu.memory_space<vmem>>
    %dma_start3A_207 = tpu.memref_squeeze %dma_start3A_206 : memref<1x128xi32, #tpu.memory_space<vmem>> -> memref<128xi32, #tpu.memory_space<vmem>>
    %dma_start3A_208 = arith.constant 0 : i32
    %dma_start3A_209 = tpu.memref_slice %arg7[%dma_start3A_208] : memref<10240xf32, #tpu.memory_space<vmem_shared>> -> memref<10240xf32, #tpu.memory_space<vmem_shared>>
    tpu.enqueue_indirect_dma source(%arg5 : memref<128xf32, #tpu.memory_space<vmem>>) target(%dma_start3A_209 : memref<10240xf32, #tpu.memory_space<vmem_shared>>) offsets(%dma_start3A_207 : memref<128xi32, #tpu.memory_space<vmem>>) semaphore(%arg8 : memref<!tpu.dma_semaphore, #tpu.memory_space<semaphore_mem>>) {add = true}
    %dma_start3A_210 = arith.constant 2 : i32
    %dma_start3A_211 = arith.constant 0 : i32
    %dma_start3A_212 = tpu.memref_slice %arg4[%dma_start3A_210, %dma_start3A_211] : memref<32x128xi32, #tpu.memory_space<vmem>> -> memref<1x128xi32, #tpu.memory_space<vmem>>
    %dma_start3A_213 = tpu.memref_squeeze %dma_start3A_212 : memref<1x128xi32, #tpu.memory_space<vmem>> -> memref<128xi32, #tpu.memory_space<vmem>>
    %dma_start3A_214 = arith.constant 0 : i32
    %dma_start3A_215 = tpu.memref_slice %arg7[%dma_start3A_214] : memref<10240xf32, #tpu.memory_space<vmem_shared>> -> memref<10240xf32, #tpu.memory_space<vmem_shared>>
    tpu.enqueue_indirect_dma source(%arg5 : memref<128xf32, #tpu.memory_space<vmem>>) target(%dma_start3A_215 : memref<10240xf32, #tpu.memory_space<vmem_shared>>) offsets(%dma_start3A_213 : memref<128xi32, #tpu.memory_space<vmem>>) semaphore(%arg8 : memref<!tpu.dma_semaphore, #tpu.memory_space<semaphore_mem>>) {add = true}
    %dma_start3A_216 = arith.constant 3 : i32
    %dma_start3A_217 = arith.constant 0 : i32
    %dma_start3A_218 = tpu.memref_slice %arg4[%dma_start3A_216, %dma_start3A_217] : memref<32x128xi32, #tpu.memory_space<vmem>> -> memref<1x128xi32, #tpu.memory_space<vmem>>
    %dma_start3A_219 = tpu.memref_squeeze %dma_start3A_218 : memref<1x128xi32, #tpu.memory_space<vmem>> -> memref<128xi32, #tpu.memory_space<vmem>>
    %dma_start3A_220 = arith.constant 0 : i32
    %dma_start3A_221 = tpu.memref_slice %arg7[%dma_start3A_220] : memref<10240xf32, #tpu.memory_space<vmem_shared>> -> memref<10240xf32, #tpu.memory_space<vmem_shared>>
    tpu.enqueue_indirect_dma source(%arg5 : memref<128xf32, #tpu.memory_space<vmem>>) target(%dma_start3A_221 : memref<10240xf32, #tpu.memory_space<vmem_shared>>) offsets(%dma_start3A_219 : memref<128xi32, #tpu.memory_space<vmem>>) semaphore(%arg8 : memref<!tpu.dma_semaphore, #tpu.memory_space<semaphore_mem>>) {add = true}
    %dma_start3A_222 = arith.constant 4 : i32
    %dma_start3A_223 = arith.constant 0 : i32
    %dma_start3A_224 = tpu.memref_slice %arg4[%dma_start3A_222, %dma_start3A_223] : memref<32x128xi32, #tpu.memory_space<vmem>> -> memref<1x128xi32, #tpu.memory_space<vmem>>
    %dma_start3A_225 = tpu.memref_squeeze %dma_start3A_224 : memref<1x128xi32, #tpu.memory_space<vmem>> -> memref<128xi32, #tpu.memory_space<vmem>>
    %dma_start3A_226 = arith.constant 0 : i32
    %dma_start3A_227 = tpu.memref_slice %arg7[%dma_start3A_226] : memref<10240xf32, #tpu.memory_space<vmem_shared>> -> memref<10240xf32, #tpu.memory_space<vmem_shared>>
    tpu.enqueue_indirect_dma source(%arg5 : memref<128xf32, #tpu.memory_space<vmem>>) target(%dma_start3A_227 : memref<10240xf32, #tpu.memory_space<vmem_shared>>) offsets(%dma_start3A_225 : memref<128xi32, #tpu.memory_space<vmem>>) semaphore(%arg8 : memref<!tpu.dma_semaphore, #tpu.memory_space<semaphore_mem>>) {add = true}
    %dma_start3A_228 = arith.constant 5 : i32
    %dma_start3A_229 = arith.constant 0 : i32
    %dma_start3A_230 = tpu.memref_slice %arg4[%dma_start3A_228, %dma_start3A_229] : memref<32x128xi32, #tpu.memory_space<vmem>> -> memref<1x128xi32, #tpu.memory_space<vmem>>
    %dma_start3A_231 = tpu.memref_squeeze %dma_start3A_230 : memref<1x128xi32, #tpu.memory_space<vmem>> -> memref<128xi32, #tpu.memory_space<vmem>>
    %dma_start3A_232 = arith.constant 0 : i32
    %dma_start3A_233 = tpu.memref_slice %arg7[%dma_start3A_232] : memref<10240xf32, #tpu.memory_space<vmem_shared>> -> memref<10240xf32, #tpu.memory_space<vmem_shared>>
    tpu.enqueue_indirect_dma source(%arg5 : memref<128xf32, #tpu.memory_space<vmem>>) target(%dma_start3A_233 : memref<10240xf32, #tpu.memory_space<vmem_shared>>) offsets(%dma_start3A_231 : memref<128xi32, #tpu.memory_space<vmem>>) semaphore(%arg8 : memref<!tpu.dma_semaphore, #tpu.memory_space<semaphore_mem>>) {add = true}
    %dma_start3A_234 = arith.constant 6 : i32
    %dma_start3A_235 = arith.constant 0 : i32
    %dma_start3A_236 = tpu.memref_slice %arg4[%dma_start3A_234, %dma_start3A_235] : memref<32x128xi32, #tpu.memory_space<vmem>> -> memref<1x128xi32, #tpu.memory_space<vmem>>
    %dma_start3A_237 = tpu.memref_squeeze %dma_start3A_236 : memref<1x128xi32, #tpu.memory_space<vmem>> -> memref<128xi32, #tpu.memory_space<vmem>>
    %dma_start3A_238 = arith.constant 0 : i32
    %dma_start3A_239 = tpu.memref_slice %arg7[%dma_start3A_238] : memref<10240xf32, #tpu.memory_space<vmem_shared>> -> memref<10240xf32, #tpu.memory_space<vmem_shared>>
    tpu.enqueue_indirect_dma source(%arg5 : memref<128xf32, #tpu.memory_space<vmem>>) target(%dma_start3A_239 : memref<10240xf32, #tpu.memory_space<vmem_shared>>) offsets(%dma_start3A_237 : memref<128xi32, #tpu.memory_space<vmem>>) semaphore(%arg8 : memref<!tpu.dma_semaphore, #tpu.memory_space<semaphore_mem>>) {add = true}
    %dma_start3A_240 = arith.constant 7 : i32
    %dma_start3A_241 = arith.constant 0 : i32
    %dma_start3A_242 = tpu.memref_slice %arg4[%dma_start3A_240, %dma_start3A_241] : memref<32x128xi32, #tpu.memory_space<vmem>> -> memref<1x128xi32, #tpu.memory_space<vmem>>
    %dma_start3A_243 = tpu.memref_squeeze %dma_start3A_242 : memref<1x128xi32, #tpu.memory_space<vmem>> -> memref<128xi32, #tpu.memory_space<vmem>>
    %dma_start3A_244 = arith.constant 0 : i32
    %dma_start3A_245 = tpu.memref_slice %arg7[%dma_start3A_244] : memref<10240xf32, #tpu.memory_space<vmem_shared>> -> memref<10240xf32, #tpu.memory_space<vmem_shared>>
    tpu.enqueue_indirect_dma source(%arg5 : memref<128xf32, #tpu.memory_space<vmem>>) target(%dma_start3A_245 : memref<10240xf32, #tpu.memory_space<vmem_shared>>) offsets(%dma_start3A_243 : memref<128xi32, #tpu.memory_space<vmem>>) semaphore(%arg8 : memref<!tpu.dma_semaphore, #tpu.memory_space<semaphore_mem>>) {add = true}
    %dma_start3A_246 = arith.constant 8 : i32
    %dma_start3A_247 = arith.constant 0 : i32
    %dma_start3A_248 = tpu.memref_slice %arg4[%dma_start3A_246, %dma_start3A_247] : memref<32x128xi32, #tpu.memory_space<vmem>> -> memref<1x128xi32, #tpu.memory_space<vmem>>
    %dma_start3A_249 = tpu.memref_squeeze %dma_start3A_248 : memref<1x128xi32, #tpu.memory_space<vmem>> -> memref<128xi32, #tpu.memory_space<vmem>>
    %dma_start3A_250 = arith.constant 0 : i32
    %dma_start3A_251 = tpu.memref_slice %arg7[%dma_start3A_250] : memref<10240xf32, #tpu.memory_space<vmem_shared>> -> memref<10240xf32, #tpu.memory_space<vmem_shared>>
    tpu.enqueue_indirect_dma source(%arg5 : memref<128xf32, #tpu.memory_space<vmem>>) target(%dma_start3A_251 : memref<10240xf32, #tpu.memory_space<vmem_shared>>) offsets(%dma_start3A_249 : memref<128xi32, #tpu.memory_space<vmem>>) semaphore(%arg8 : memref<!tpu.dma_semaphore, #tpu.memory_space<semaphore_mem>>) {add = true}
    %dma_start3A_252 = arith.constant 9 : i32
    %dma_start3A_253 = arith.constant 0 : i32
    %dma_start3A_254 = tpu.memref_slice %arg4[%dma_start3A_252, %dma_start3A_253] : memref<32x128xi32, #tpu.memory_space<vmem>> -> memref<1x128xi32, #tpu.memory_space<vmem>>
    %dma_start3A_255 = tpu.memref_squeeze %dma_start3A_254 : memref<1x128xi32, #tpu.memory_space<vmem>> -> memref<128xi32, #tpu.memory_space<vmem>>
    %dma_start3A_256 = arith.constant 0 : i32
    %dma_start3A_257 = tpu.memref_slice %arg7[%dma_start3A_256] : memref<10240xf32, #tpu.memory_space<vmem_shared>> -> memref<10240xf32, #tpu.memory_space<vmem_shared>>
    tpu.enqueue_indirect_dma source(%arg5 : memref<128xf32, #tpu.memory_space<vmem>>) target(%dma_start3A_257 : memref<10240xf32, #tpu.memory_space<vmem_shared>>) offsets(%dma_start3A_255 : memref<128xi32, #tpu.memory_space<vmem>>) semaphore(%arg8 : memref<!tpu.dma_semaphore, #tpu.memory_space<semaphore_mem>>) {add = true}
    %dma_start3A_258 = arith.constant 10 : i32
    %dma_start3A_259 = arith.constant 0 : i32
    %dma_start3A_260 = tpu.memref_slice %arg4[%dma_start3A_258, %dma_start3A_259] : memref<32x128xi32, #tpu.memory_space<vmem>> -> memref<1x128xi32, #tpu.memory_space<vmem>>
    %dma_start3A_261 = tpu.memref_squeeze %dma_start3A_260 : memref<1x128xi32, #tpu.memory_space<vmem>> -> memref<128xi32, #tpu.memory_space<vmem>>
    %dma_start3A_262 = arith.constant 0 : i32
    %dma_start3A_263 = tpu.memref_slice %arg7[%dma_start3A_262] : memref<10240xf32, #tpu.memory_space<vmem_shared>> -> memref<10240xf32, #tpu.memory_space<vmem_shared>>
    tpu.enqueue_indirect_dma source(%arg5 : memref<128xf32, #tpu.memory_space<vmem>>) target(%dma_start3A_263 : memref<10240xf32, #tpu.memory_space<vmem_shared>>) offsets(%dma_start3A_261 : memref<128xi32, #tpu.memory_space<vmem>>) semaphore(%arg8 : memref<!tpu.dma_semaphore, #tpu.memory_space<semaphore_mem>>) {add = true}
    %dma_start3A_264 = arith.constant 11 : i32
    %dma_start3A_265 = arith.constant 0 : i32
    %dma_start3A_266 = tpu.memref_slice %arg4[%dma_start3A_264, %dma_start3A_265] : memref<32x128xi32, #tpu.memory_space<vmem>> -> memref<1x128xi32, #tpu.memory_space<vmem>>
    %dma_start3A_267 = tpu.memref_squeeze %dma_start3A_266 : memref<1x128xi32, #tpu.memory_space<vmem>> -> memref<128xi32, #tpu.memory_space<vmem>>
    %dma_start3A_268 = arith.constant 0 : i32
    %dma_start3A_269 = tpu.memref_slice %arg7[%dma_start3A_268] : memref<10240xf32, #tpu.memory_space<vmem_shared>> -> memref<10240xf32, #tpu.memory_space<vmem_shared>>
    tpu.enqueue_indirect_dma source(%arg5 : memref<128xf32, #tpu.memory_space<vmem>>) target(%dma_start3A_269 : memref<10240xf32, #tpu.memory_space<vmem_shared>>) offsets(%dma_start3A_267 : memref<128xi32, #tpu.memory_space<vmem>>) semaphore(%arg8 : memref<!tpu.dma_semaphore, #tpu.memory_space<semaphore_mem>>) {add = true}
    %dma_start3A_270 = arith.constant 12 : i32
    %dma_start3A_271 = arith.constant 0 : i32
    %dma_start3A_272 = tpu.memref_slice %arg4[%dma_start3A_270, %dma_start3A_271] : memref<32x128xi32, #tpu.memory_space<vmem>> -> memref<1x128xi32, #tpu.memory_space<vmem>>
    %dma_start3A_273 = tpu.memref_squeeze %dma_start3A_272 : memref<1x128xi32, #tpu.memory_space<vmem>> -> memref<128xi32, #tpu.memory_space<vmem>>
    %dma_start3A_274 = arith.constant 0 : i32
    %dma_start3A_275 = tpu.memref_slice %arg7[%dma_start3A_274] : memref<10240xf32, #tpu.memory_space<vmem_shared>> -> memref<10240xf32, #tpu.memory_space<vmem_shared>>
    tpu.enqueue_indirect_dma source(%arg5 : memref<128xf32, #tpu.memory_space<vmem>>) target(%dma_start3A_275 : memref<10240xf32, #tpu.memory_space<vmem_shared>>) offsets(%dma_start3A_273 : memref<128xi32, #tpu.memory_space<vmem>>) semaphore(%arg8 : memref<!tpu.dma_semaphore, #tpu.memory_space<semaphore_mem>>) {add = true}
    %dma_start3A_276 = arith.constant 13 : i32
    %dma_start3A_277 = arith.constant 0 : i32
    %dma_start3A_278 = tpu.memref_slice %arg4[%dma_start3A_276, %dma_start3A_277] : memref<32x128xi32, #tpu.memory_space<vmem>> -> memref<1x128xi32, #tpu.memory_space<vmem>>
    %dma_start3A_279 = tpu.memref_squeeze %dma_start3A_278 : memref<1x128xi32, #tpu.memory_space<vmem>> -> memref<128xi32, #tpu.memory_space<vmem>>
    %dma_start3A_280 = arith.constant 0 : i32
    %dma_start3A_281 = tpu.memref_slice %arg7[%dma_start3A_280] : memref<10240xf32, #tpu.memory_space<vmem_shared>> -> memref<10240xf32, #tpu.memory_space<vmem_shared>>
    tpu.enqueue_indirect_dma source(%arg5 : memref<128xf32, #tpu.memory_space<vmem>>) target(%dma_start3A_281 : memref<10240xf32, #tpu.memory_space<vmem_shared>>) offsets(%dma_start3A_279 : memref<128xi32, #tpu.memory_space<vmem>>) semaphore(%arg8 : memref<!tpu.dma_semaphore, #tpu.memory_space<semaphore_mem>>) {add = true}
    %dma_start3A_282 = arith.constant 14 : i32
    %dma_start3A_283 = arith.constant 0 : i32
    %dma_start3A_284 = tpu.memref_slice %arg4[%dma_start3A_282, %dma_start3A_283] : memref<32x128xi32, #tpu.memory_space<vmem>> -> memref<1x128xi32, #tpu.memory_space<vmem>>
    %dma_start3A_285 = tpu.memref_squeeze %dma_start3A_284 : memref<1x128xi32, #tpu.memory_space<vmem>> -> memref<128xi32, #tpu.memory_space<vmem>>
    %dma_start3A_286 = arith.constant 0 : i32
    %dma_start3A_287 = tpu.memref_slice %arg7[%dma_start3A_286] : memref<10240xf32, #tpu.memory_space<vmem_shared>> -> memref<10240xf32, #tpu.memory_space<vmem_shared>>
    tpu.enqueue_indirect_dma source(%arg5 : memref<128xf32, #tpu.memory_space<vmem>>) target(%dma_start3A_287 : memref<10240xf32, #tpu.memory_space<vmem_shared>>) offsets(%dma_start3A_285 : memref<128xi32, #tpu.memory_space<vmem>>) semaphore(%arg8 : memref<!tpu.dma_semaphore, #tpu.memory_space<semaphore_mem>>) {add = true}
    %dma_start3A_288 = arith.constant 15 : i32
    %dma_start3A_289 = arith.constant 0 : i32
    %dma_start3A_290 = tpu.memref_slice %arg4[%dma_start3A_288, %dma_start3A_289] : memref<32x128xi32, #tpu.memory_space<vmem>> -> memref<1x128xi32, #tpu.memory_space<vmem>>
    %dma_start3A_291 = tpu.memref_squeeze %dma_start3A_290 : memref<1x128xi32, #tpu.memory_space<vmem>> -> memref<128xi32, #tpu.memory_space<vmem>>
    %dma_start3A_292 = arith.constant 0 : i32
    %dma_start3A_293 = tpu.memref_slice %arg7[%dma_start3A_292] : memref<10240xf32, #tpu.memory_space<vmem_shared>> -> memref<10240xf32, #tpu.memory_space<vmem_shared>>
    tpu.enqueue_indirect_dma source(%arg5 : memref<128xf32, #tpu.memory_space<vmem>>) target(%dma_start3A_293 : memref<10240xf32, #tpu.memory_space<vmem_shared>>) offsets(%dma_start3A_291 : memref<128xi32, #tpu.memory_space<vmem>>) semaphore(%arg8 : memref<!tpu.dma_semaphore, #tpu.memory_space<semaphore_mem>>) {add = true}
    %add3A_294 = arith.constant 16 : i32
    %add3A_295 = arith.addi %mul3A_2, %add3A_294 : i32
    %min3A = arith.constant 2544 : i32
    %min3A_296 = arith.minsi %add3A_295, %min3A : i32
    %dma_start3A_297 = arith.constant 16 : i32
    %dma_start3A_298 = arith.constant 0 : i32
    %dma_start3A_299 = tpu.memref_slice %arg4[%dma_start3A_297, %dma_start3A_298] : memref<32x128xi32, #tpu.memory_space<vmem>> -> memref<16x128xi32, #tpu.memory_space<vmem>>
    %dma_start3A_300 = arith.constant 0 : i32
    %dma_start3A_301 = tpu.memref_slice %arg2[%min3A_296, %dma_start3A_300] : memref<2560x128xi32, #tpu.memory_space<hbm>> -> memref<16x128xi32, #tpu.memory_space<hbm>>
    %dma_start3A_302 = arith.constant 16 : i32
    %dma_start3A_303 = arith.constant 0 : i32
    %dma_start3A_304 = tpu.memref_slice %arg4[%dma_start3A_302, %dma_start3A_303] : memref<32x128xi32, #tpu.memory_space<vmem>> -> memref<16x128xi32, #tpu.memory_space<vmem>>
    %dma_start3A_305 = arith.constant 0 : i32
    %dma_start3A_306 = tpu.memref_slice %arg2[%min3A_296, %dma_start3A_305] : memref<2560x128xi32, #tpu.memory_space<hbm>> -> memref<16x128xi32, #tpu.memory_space<hbm>>
    tpu.enqueue_dma source(%dma_start3A_306 : memref<16x128xi32, #tpu.memory_space<hbm>>) target(%dma_start3A_304 : memref<16x128xi32, #tpu.memory_space<vmem>>) target_semaphore(%arg9 : memref<!tpu.dma_semaphore, #tpu.memory_space<semaphore_mem>>)
    %scan3A = arith.constant 0 : i32
    %scan3A_307 = arith.constant 1 : i32
    %scan3A_308 = arith.constant 4 : i32
    %scan3A_309 = arith.addi %scan3A_307, %scan3A_308 : i32
    %scan3A_310 = arith.constant 1 : i32
    scf.for %scan3A_388 = %scan3A_307 to %scan3A_309 step %scan3A_310  : i32 {
      %dma_wait3A_389 = arith.constant 0 : i32
      %dma_wait3A_390 = arith.constant 0 : i32
      %dma_wait3A_391 = tpu.memref_slice %arg4[%dma_wait3A_389, %dma_wait3A_390] : memref<32x128xi32, #tpu.memory_space<vmem>> -> memref<16x128xi32, #tpu.memory_space<vmem>>
      %dma_wait3A_392 = arith.constant 0 : i32
      %dma_wait3A_393 = arith.constant 0 : i32
      %dma_wait3A_394 = tpu.memref_slice %arg2[%dma_wait3A_392, %dma_wait3A_393] : memref<2560x128xi32, #tpu.memory_space<hbm>> -> memref<16x128xi32, #tpu.memory_space<hbm>>
      %dma_wait3A_395 = arith.constant 0 : i32
      %dma_wait3A_396 = arith.constant 0 : i32
      %dma_wait3A_397 = tpu.memref_slice %arg4[%dma_wait3A_395, %dma_wait3A_396] : memref<32x128xi32, #tpu.memory_space<vmem>> -> memref<16x128xi32, #tpu.memory_space<vmem>>
      %dma_wait3A_398 = arith.constant 0 : i32
      %dma_wait3A_399 = arith.constant 0 : i32
      %dma_wait3A_400 = tpu.memref_slice %arg2[%dma_wait3A_398, %dma_wait3A_399] : memref<2560x128xi32, #tpu.memory_space<hbm>> -> memref<16x128xi32, #tpu.memory_space<hbm>>
      tpu.wait_dma2 semaphore(%arg9 : memref<!tpu.dma_semaphore, #tpu.memory_space<semaphore_mem>>) src(%dma_wait3A_400 : memref<16x128xi32, #tpu.memory_space<hbm>>) dst(%dma_wait3A_397 : memref<16x128xi32, #tpu.memory_space<vmem>>)
      %rem3A = arith.constant 2 : i32
      %rem3A_401 = arith.remsi %scan3A_388, %rem3A : i32
      %mul3A_402 = arith.constant 16 : i32
      %mul3A_403 = arith.muli %rem3A_401, %mul3A_402 : i32
      %dma_wait3A_404 = arith.constant 0 : i32
      %dma_wait3A_405 = tpu.memref_slice %arg7[%dma_wait3A_404] : memref<10240xf32, #tpu.memory_space<vmem_shared>> -> memref<128xf32, #tpu.memory_space<vmem_shared>>
      %dma_wait3A_406 = arith.constant 0 : i32
      %dma_wait3A_407 = tpu.memref_slice %arg7[%dma_wait3A_406] : memref<10240xf32, #tpu.memory_space<vmem_shared>> -> memref<128xf32, #tpu.memory_space<vmem_shared>>
      tpu.wait_dma2 semaphore(%arg8 : memref<!tpu.dma_semaphore, #tpu.memory_space<semaphore_mem>>) src(%arg5 : memref<128xf32, #tpu.memory_space<vmem>>) dst(%dma_wait3A_407 : memref<128xf32, #tpu.memory_space<vmem_shared>>)
      %dma_wait3A_408 = arith.constant 0 : i32
      %dma_wait3A_409 = tpu.memref_slice %arg7[%dma_wait3A_408] : memref<10240xf32, #tpu.memory_space<vmem_shared>> -> memref<128xf32, #tpu.memory_space<vmem_shared>>
      %dma_wait3A_410 = arith.constant 0 : i32
      %dma_wait3A_411 = tpu.memref_slice %arg7[%dma_wait3A_410] : memref<10240xf32, #tpu.memory_space<vmem_shared>> -> memref<128xf32, #tpu.memory_space<vmem_shared>>
      tpu.wait_dma2 semaphore(%arg8 : memref<!tpu.dma_semaphore, #tpu.memory_space<semaphore_mem>>) src(%arg5 : memref<128xf32, #tpu.memory_space<vmem>>) dst(%dma_wait3A_411 : memref<128xf32, #tpu.memory_space<vmem_shared>>)
      %dma_wait3A_412 = arith.constant 0 : i32
      %dma_wait3A_413 = tpu.memref_slice %arg7[%dma_wait3A_412] : memref<10240xf32, #tpu.memory_space<vmem_shared>> -> memref<128xf32, #tpu.memory_space<vmem_shared>>
      %dma_wait3A_414 = arith.constant 0 : i32
      %dma_wait3A_415 = tpu.memref_slice %arg7[%dma_wait3A_414] : memref<10240xf32, #tpu.memory_space<vmem_shared>> -> memref<128xf32, #tpu.memory_space<vmem_shared>>
      tpu.wait_dma2 semaphore(%arg8 : memref<!tpu.dma_semaphore, #tpu.memory_space<semaphore_mem>>) src(%arg5 : memref<128xf32, #tpu.memory_space<vmem>>) dst(%dma_wait3A_415 : memref<128xf32, #tpu.memory_space<vmem_shared>>)
      %dma_wait3A_416 = arith.constant 0 : i32
      %dma_wait3A_417 = tpu.memref_slice %arg7[%dma_wait3A_416] : memref<10240xf32, #tpu.memory_space<vmem_shared>> -> memref<128xf32, #tpu.memory_space<vmem_shared>>
      %dma_wait3A_418 = arith.constant 0 : i32
      %dma_wait3A_419 = tpu.memref_slice %arg7[%dma_wait3A_418] : memref<10240xf32, #tpu.memory_space<vmem_shared>> -> memref<128xf32, #tpu.memory_space<vmem_shared>>
      tpu.wait_dma2 semaphore(%arg8 : memref<!tpu.dma_semaphore, #tpu.memory_space<semaphore_mem>>) src(%arg5 : memref<128xf32, #tpu.memory_space<vmem>>) dst(%dma_wait3A_419 : memref<128xf32, #tpu.memory_space<vmem_shared>>)
      %dma_wait3A_420 = arith.constant 0 : i32
      %dma_wait3A_421 = tpu.memref_slice %arg7[%dma_wait3A_420] : memref<10240xf32, #tpu.memory_space<vmem_shared>> -> memref<128xf32, #tpu.memory_space<vmem_shared>>
      %dma_wait3A_422 = arith.constant 0 : i32
      %dma_wait3A_423 = tpu.memref_slice %arg7[%dma_wait3A_422] : memref<10240xf32, #tpu.memory_space<vmem_shared>> -> memref<128xf32, #tpu.memory_space<vmem_shared>>
      tpu.wait_dma2 semaphore(%arg8 : memref<!tpu.dma_semaphore, #tpu.memory_space<semaphore_mem>>) src(%arg5 : memref<128xf32, #tpu.memory_space<vmem>>) dst(%dma_wait3A_423 : memref<128xf32, #tpu.memory_space<vmem_shared>>)
      %dma_wait3A_424 = arith.constant 0 : i32
      %dma_wait3A_425 = tpu.memref_slice %arg7[%dma_wait3A_424] : memref<10240xf32, #tpu.memory_space<vmem_shared>> -> memref<128xf32, #tpu.memory_space<vmem_shared>>
      %dma_wait3A_426 = arith.constant 0 : i32
      %dma_wait3A_427 = tpu.memref_slice %arg7[%dma_wait3A_426] : memref<10240xf32, #tpu.memory_space<vmem_shared>> -> memref<128xf32, #tpu.memory_space<vmem_shared>>
      tpu.wait_dma2 semaphore(%arg8 : memref<!tpu.dma_semaphore, #tpu.memory_space<semaphore_mem>>) src(%arg5 : memref<128xf32, #tpu.memory_space<vmem>>) dst(%dma_wait3A_427 : memref<128xf32, #tpu.memory_space<vmem_shared>>)
      %dma_wait3A_428 = arith.constant 0 : i32
      %dma_wait3A_429 = tpu.memref_slice %arg7[%dma_wait3A_428] : memref<10240xf32, #tpu.memory_space<vmem_shared>> -> memref<128xf32, #tpu.memory_space<vmem_shared>>
      %dma_wait3A_430 = arith.constant 0 : i32
      %dma_wait3A_431 = tpu.memref_slice %arg7[%dma_wait3A_430] : memref<10240xf32, #tpu.memory_space<vmem_shared>> -> memref<128xf32, #tpu.memory_space<vmem_shared>>
      tpu.wait_dma2 semaphore(%arg8 : memref<!tpu.dma_semaphore, #tpu.memory_space<semaphore_mem>>) src(%arg5 : memref<128xf32, #tpu.memory_space<vmem>>) dst(%dma_wait3A_431 : memref<128xf32, #tpu.memory_space<vmem_shared>>)
      %dma_wait3A_432 = arith.constant 0 : i32
      %dma_wait3A_433 = tpu.memref_slice %arg7[%dma_wait3A_432] : memref<10240xf32, #tpu.memory_space<vmem_shared>> -> memref<128xf32, #tpu.memory_space<vmem_shared>>
      %dma_wait3A_434 = arith.constant 0 : i32
      %dma_wait3A_435 = tpu.memref_slice %arg7[%dma_wait3A_434] : memref<10240xf32, #tpu.memory_space<vmem_shared>> -> memref<128xf32, #tpu.memory_space<vmem_shared>>
      tpu.wait_dma2 semaphore(%arg8 : memref<!tpu.dma_semaphore, #tpu.memory_space<semaphore_mem>>) src(%arg5 : memref<128xf32, #tpu.memory_space<vmem>>) dst(%dma_wait3A_435 : memref<128xf32, #tpu.memory_space<vmem_shared>>)
      %dma_wait3A_436 = arith.constant 0 : i32
      %dma_wait3A_437 = tpu.memref_slice %arg7[%dma_wait3A_436] : memref<10240xf32, #tpu.memory_space<vmem_shared>> -> memref<128xf32, #tpu.memory_space<vmem_shared>>
      %dma_wait3A_438 = arith.constant 0 : i32
      %dma_wait3A_439 = tpu.memref_slice %arg7[%dma_wait3A_438] : memref<10240xf32, #tpu.memory_space<vmem_shared>> -> memref<128xf32, #tpu.memory_space<vmem_shared>>
      tpu.wait_dma2 semaphore(%arg8 : memref<!tpu.dma_semaphore, #tpu.memory_space<semaphore_mem>>) src(%arg5 : memref<128xf32, #tpu.memory_space<vmem>>) dst(%dma_wait3A_439 : memref<128xf32, #tpu.memory_space<vmem_shared>>)
      %dma_wait3A_440 = arith.constant 0 : i32
      %dma_wait3A_441 = tpu.memref_slice %arg7[%dma_wait3A_440] : memref<10240xf32, #tpu.memory_space<vmem_shared>> -> memref<128xf32, #tpu.memory_space<vmem_shared>>
      %dma_wait3A_442 = arith.constant 0 : i32
      %dma_wait3A_443 = tpu.memref_slice %arg7[%dma_wait3A_442] : memref<10240xf32, #tpu.memory_space<vmem_shared>> -> memref<128xf32, #tpu.memory_space<vmem_shared>>
      tpu.wait_dma2 semaphore(%arg8 : memref<!tpu.dma_semaphore, #tpu.memory_space<semaphore_mem>>) src(%arg5 : memref<128xf32, #tpu.memory_space<vmem>>) dst(%dma_wait3A_443 : memref<128xf32, #tpu.memory_space<vmem_shared>>)
      %dma_wait3A_444 = arith.constant 0 : i32
      %dma_wait3A_445 = tpu.memref_slice %arg7[%dma_wait3A_444] : memref<10240xf32, #tpu.memory_space<vmem_shared>> -> memref<128xf32, #tpu.memory_space<vmem_shared>>
      %dma_wait3A_446 = arith.constant 0 : i32
      %dma_wait3A_447 = tpu.memref_slice %arg7[%dma_wait3A_446] : memref<10240xf32, #tpu.memory_space<vmem_shared>> -> memref<128xf32, #tpu.memory_space<vmem_shared>>
      tpu.wait_dma2 semaphore(%arg8 : memref<!tpu.dma_semaphore, #tpu.memory_space<semaphore_mem>>) src(%arg5 : memref<128xf32, #tpu.memory_space<vmem>>) dst(%dma_wait3A_447 : memref<128xf32, #tpu.memory_space<vmem_shared>>)
      %dma_wait3A_448 = arith.constant 0 : i32
      %dma_wait3A_449 = tpu.memref_slice %arg7[%dma_wait3A_448] : memref<10240xf32, #tpu.memory_space<vmem_shared>> -> memref<128xf32, #tpu.memory_space<vmem_shared>>
      %dma_wait3A_450 = arith.constant 0 : i32
      %dma_wait3A_451 = tpu.memref_slice %arg7[%dma_wait3A_450] : memref<10240xf32, #tpu.memory_space<vmem_shared>> -> memref<128xf32, #tpu.memory_space<vmem_shared>>
      tpu.wait_dma2 semaphore(%arg8 : memref<!tpu.dma_semaphore, #tpu.memory_space<semaphore_mem>>) src(%arg5 : memref<128xf32, #tpu.memory_space<vmem>>) dst(%dma_wait3A_451 : memref<128xf32, #tpu.memory_space<vmem_shared>>)
      %dma_wait3A_452 = arith.constant 0 : i32
      %dma_wait3A_453 = tpu.memref_slice %arg7[%dma_wait3A_452] : memref<10240xf32, #tpu.memory_space<vmem_shared>> -> memref<128xf32, #tpu.memory_space<vmem_shared>>
      %dma_wait3A_454 = arith.constant 0 : i32
      %dma_wait3A_455 = tpu.memref_slice %arg7[%dma_wait3A_454] : memref<10240xf32, #tpu.memory_space<vmem_shared>> -> memref<128xf32, #tpu.memory_space<vmem_shared>>
      tpu.wait_dma2 semaphore(%arg8 : memref<!tpu.dma_semaphore, #tpu.memory_space<semaphore_mem>>) src(%arg5 : memref<128xf32, #tpu.memory_space<vmem>>) dst(%dma_wait3A_455 : memref<128xf32, #tpu.memory_space<vmem_shared>>)
      %dma_wait3A_456 = arith.constant 0 : i32
      %dma_wait3A_457 = tpu.memref_slice %arg7[%dma_wait3A_456] : memref<10240xf32, #tpu.memory_space<vmem_shared>> -> memref<128xf32, #tpu.memory_space<vmem_shared>>
      %dma_wait3A_458 = arith.constant 0 : i32
      %dma_wait3A_459 = tpu.memref_slice %arg7[%dma_wait3A_458] : memref<10240xf32, #tpu.memory_space<vmem_shared>> -> memref<128xf32, #tpu.memory_space<vmem_shared>>
      tpu.wait_dma2 semaphore(%arg8 : memref<!tpu.dma_semaphore, #tpu.memory_space<semaphore_mem>>) src(%arg5 : memref<128xf32, #tpu.memory_space<vmem>>) dst(%dma_wait3A_459 : memref<128xf32, #tpu.memory_space<vmem_shared>>)
      %dma_wait3A_460 = arith.constant 0 : i32
      %dma_wait3A_461 = tpu.memref_slice %arg7[%dma_wait3A_460] : memref<10240xf32, #tpu.memory_space<vmem_shared>> -> memref<128xf32, #tpu.memory_space<vmem_shared>>
      %dma_wait3A_462 = arith.constant 0 : i32
      %dma_wait3A_463 = tpu.memref_slice %arg7[%dma_wait3A_462] : memref<10240xf32, #tpu.memory_space<vmem_shared>> -> memref<128xf32, #tpu.memory_space<vmem_shared>>
      tpu.wait_dma2 semaphore(%arg8 : memref<!tpu.dma_semaphore, #tpu.memory_space<semaphore_mem>>) src(%arg5 : memref<128xf32, #tpu.memory_space<vmem>>) dst(%dma_wait3A_463 : memref<128xf32, #tpu.memory_space<vmem_shared>>)
      %dma_wait3A_464 = arith.constant 0 : i32
      %dma_wait3A_465 = tpu.memref_slice %arg7[%dma_wait3A_464] : memref<10240xf32, #tpu.memory_space<vmem_shared>> -> memref<128xf32, #tpu.memory_space<vmem_shared>>
      %dma_wait3A_466 = arith.constant 0 : i32
      %dma_wait3A_467 = tpu.memref_slice %arg7[%dma_wait3A_466] : memref<10240xf32, #tpu.memory_space<vmem_shared>> -> memref<128xf32, #tpu.memory_space<vmem_shared>>
      tpu.wait_dma2 semaphore(%arg8 : memref<!tpu.dma_semaphore, #tpu.memory_space<semaphore_mem>>) src(%arg5 : memref<128xf32, #tpu.memory_space<vmem>>) dst(%dma_wait3A_467 : memref<128xf32, #tpu.memory_space<vmem_shared>>)
      %add3A_468 = arith.constant 0 : i32
      %add3A_469 = arith.addi %mul3A_403, %add3A_468 : i32
      %dma_start3A_470 = arith.constant 0 : i32
      %dma_start3A_471 = tpu.memref_slice %arg4[%add3A_469, %dma_start3A_470] : memref<32x128xi32, #tpu.memory_space<vmem>> -> memref<1x128xi32, #tpu.memory_space<vmem>>
      %dma_start3A_472 = tpu.memref_squeeze %dma_start3A_471 : memref<1x128xi32, #tpu.memory_space<vmem>> -> memref<128xi32, #tpu.memory_space<vmem>>
      %dma_start3A_473 = arith.constant 0 : i32
      %dma_start3A_474 = tpu.memref_slice %arg7[%dma_start3A_473] : memref<10240xf32, #tpu.memory_space<vmem_shared>> -> memref<10240xf32, #tpu.memory_space<vmem_shared>>
      tpu.enqueue_indirect_dma source(%arg5 : memref<128xf32, #tpu.memory_space<vmem>>) target(%dma_start3A_474 : memref<10240xf32, #tpu.memory_space<vmem_shared>>) offsets(%dma_start3A_472 : memref<128xi32, #tpu.memory_space<vmem>>) semaphore(%arg8 : memref<!tpu.dma_semaphore, #tpu.memory_space<semaphore_mem>>) {add = true}
      %add3A_475 = arith.constant 1 : i32
      %add3A_476 = arith.addi %mul3A_403, %add3A_475 : i32
      %dma_start3A_477 = arith.constant 0 : i32
      %dma_start3A_478 = tpu.memref_slice %arg4[%add3A_476, %dma_start3A_477] : memref<32x128xi32, #tpu.memory_space<vmem>> -> memref<1x128xi32, #tpu.memory_space<vmem>>
      %dma_start3A_479 = tpu.memref_squeeze %dma_start3A_478 : memref<1x128xi32, #tpu.memory_space<vmem>> -> memref<128xi32, #tpu.memory_space<vmem>>
      %dma_start3A_480 = arith.constant 0 : i32
      %dma_start3A_481 = tpu.memref_slice %arg7[%dma_start3A_480] : memref<10240xf32, #tpu.memory_space<vmem_shared>> -> memref<10240xf32, #tpu.memory_space<vmem_shared>>
      tpu.enqueue_indirect_dma source(%arg5 : memref<128xf32, #tpu.memory_space<vmem>>) target(%dma_start3A_481 : memref<10240xf32, #tpu.memory_space<vmem_shared>>) offsets(%dma_start3A_479 : memref<128xi32, #tpu.memory_space<vmem>>) semaphore(%arg8 : memref<!tpu.dma_semaphore, #tpu.memory_space<semaphore_mem>>) {add = true}
      %add3A_482 = arith.constant 2 : i32
      %add3A_483 = arith.addi %mul3A_403, %add3A_482 : i32
      %dma_start3A_484 = arith.constant 0 : i32
      %dma_start3A_485 = tpu.memref_slice %arg4[%add3A_483, %dma_start3A_484] : memref<32x128xi32, #tpu.memory_space<vmem>> -> memref<1x128xi32, #tpu.memory_space<vmem>>
      %dma_start3A_486 = tpu.memref_squeeze %dma_start3A_485 : memref<1x128xi32, #tpu.memory_space<vmem>> -> memref<128xi32, #tpu.memory_space<vmem>>
      %dma_start3A_487 = arith.constant 0 : i32
      %dma_start3A_488 = tpu.memref_slice %arg7[%dma_start3A_487] : memref<10240xf32, #tpu.memory_space<vmem_shared>> -> memref<10240xf32, #tpu.memory_space<vmem_shared>>
      tpu.enqueue_indirect_dma source(%arg5 : memref<128xf32, #tpu.memory_space<vmem>>) target(%dma_start3A_488 : memref<10240xf32, #tpu.memory_space<vmem_shared>>) offsets(%dma_start3A_486 : memref<128xi32, #tpu.memory_space<vmem>>) semaphore(%arg8 : memref<!tpu.dma_semaphore, #tpu.memory_space<semaphore_mem>>) {add = true}
      %add3A_489 = arith.constant 3 : i32
      %add3A_490 = arith.addi %mul3A_403, %add3A_489 : i32
      %dma_start3A_491 = arith.constant 0 : i32
      %dma_start3A_492 = tpu.memref_slice %arg4[%add3A_490, %dma_start3A_491] : memref<32x128xi32, #tpu.memory_space<vmem>> -> memref<1x128xi32, #tpu.memory_space<vmem>>
      %dma_start3A_493 = tpu.memref_squeeze %dma_start3A_492 : memref<1x128xi32, #tpu.memory_space<vmem>> -> memref<128xi32, #tpu.memory_space<vmem>>
      %dma_start3A_494 = arith.constant 0 : i32
      %dma_start3A_495 = tpu.memref_slice %arg7[%dma_start3A_494] : memref<10240xf32, #tpu.memory_space<vmem_shared>> -> memref<10240xf32, #tpu.memory_space<vmem_shared>>
      tpu.enqueue_indirect_dma source(%arg5 : memref<128xf32, #tpu.memory_space<vmem>>) target(%dma_start3A_495 : memref<10240xf32, #tpu.memory_space<vmem_shared>>) offsets(%dma_start3A_493 : memref<128xi32, #tpu.memory_space<vmem>>) semaphore(%arg8 : memref<!tpu.dma_semaphore, #tpu.memory_space<semaphore_mem>>) {add = true}
      %add3A_496 = arith.constant 4 : i32
      %add3A_497 = arith.addi %mul3A_403, %add3A_496 : i32
      %dma_start3A_498 = arith.constant 0 : i32
      %dma_start3A_499 = tpu.memref_slice %arg4[%add3A_497, %dma_start3A_498] : memref<32x128xi32, #tpu.memory_space<vmem>> -> memref<1x128xi32, #tpu.memory_space<vmem>>
      %dma_start3A_500 = tpu.memref_squeeze %dma_start3A_499 : memref<1x128xi32, #tpu.memory_space<vmem>> -> memref<128xi32, #tpu.memory_space<vmem>>
      %dma_start3A_501 = arith.constant 0 : i32
      %dma_start3A_502 = tpu.memref_slice %arg7[%dma_start3A_501] : memref<10240xf32, #tpu.memory_space<vmem_shared>> -> memref<10240xf32, #tpu.memory_space<vmem_shared>>
      tpu.enqueue_indirect_dma source(%arg5 : memref<128xf32, #tpu.memory_space<vmem>>) target(%dma_start3A_502 : memref<10240xf32, #tpu.memory_space<vmem_shared>>) offsets(%dma_start3A_500 : memref<128xi32, #tpu.memory_space<vmem>>) semaphore(%arg8 : memref<!tpu.dma_semaphore, #tpu.memory_space<semaphore_mem>>) {add = true}
      %add3A_503 = arith.constant 5 : i32
      %add3A_504 = arith.addi %mul3A_403, %add3A_503 : i32
      %dma_start3A_505 = arith.constant 0 : i32
      %dma_start3A_506 = tpu.memref_slice %arg4[%add3A_504, %dma_start3A_505] : memref<32x128xi32, #tpu.memory_space<vmem>> -> memref<1x128xi32, #tpu.memory_space<vmem>>
      %dma_start3A_507 = tpu.memref_squeeze %dma_start3A_506 : memref<1x128xi32, #tpu.memory_space<vmem>> -> memref<128xi32, #tpu.memory_space<vmem>>
      %dma_start3A_508 = arith.constant 0 : i32
      %dma_start3A_509 = tpu.memref_slice %arg7[%dma_start3A_508] : memref<10240xf32, #tpu.memory_space<vmem_shared>> -> memref<10240xf32, #tpu.memory_space<vmem_shared>>
      tpu.enqueue_indirect_dma source(%arg5 : memref<128xf32, #tpu.memory_space<vmem>>) target(%dma_start3A_509 : memref<10240xf32, #tpu.memory_space<vmem_shared>>) offsets(%dma_start3A_507 : memref<128xi32, #tpu.memory_space<vmem>>) semaphore(%arg8 : memref<!tpu.dma_semaphore, #tpu.memory_space<semaphore_mem>>) {add = true}
      %add3A_510 = arith.constant 6 : i32
      %add3A_511 = arith.addi %mul3A_403, %add3A_510 : i32
      %dma_start3A_512 = arith.constant 0 : i32
      %dma_start3A_513 = tpu.memref_slice %arg4[%add3A_511, %dma_start3A_512] : memref<32x128xi32, #tpu.memory_space<vmem>> -> memref<1x128xi32, #tpu.memory_space<vmem>>
      %dma_start3A_514 = tpu.memref_squeeze %dma_start3A_513 : memref<1x128xi32, #tpu.memory_space<vmem>> -> memref<128xi32, #tpu.memory_space<vmem>>
      %dma_start3A_515 = arith.constant 0 : i32
      %dma_start3A_516 = tpu.memref_slice %arg7[%dma_start3A_515] : memref<10240xf32, #tpu.memory_space<vmem_shared>> -> memref<10240xf32, #tpu.memory_space<vmem_shared>>
      tpu.enqueue_indirect_dma source(%arg5 : memref<128xf32, #tpu.memory_space<vmem>>) target(%dma_start3A_516 : memref<10240xf32, #tpu.memory_space<vmem_shared>>) offsets(%dma_start3A_514 : memref<128xi32, #tpu.memory_space<vmem>>) semaphore(%arg8 : memref<!tpu.dma_semaphore, #tpu.memory_space<semaphore_mem>>) {add = true}
      %add3A_517 = arith.constant 7 : i32
      %add3A_518 = arith.addi %mul3A_403, %add3A_517 : i32
      %dma_start3A_519 = arith.constant 0 : i32
      %dma_start3A_520 = tpu.memref_slice %arg4[%add3A_518, %dma_start3A_519] : memref<32x128xi32, #tpu.memory_space<vmem>> -> memref<1x128xi32, #tpu.memory_space<vmem>>
      %dma_start3A_521 = tpu.memref_squeeze %dma_start3A_520 : memref<1x128xi32, #tpu.memory_space<vmem>> -> memref<128xi32, #tpu.memory_space<vmem>>
      %dma_start3A_522 = arith.constant 0 : i32
      %dma_start3A_523 = tpu.memref_slice %arg7[%dma_start3A_522] : memref<10240xf32, #tpu.memory_space<vmem_shared>> -> memref<10240xf32, #tpu.memory_space<vmem_shared>>
      tpu.enqueue_indirect_dma source(%arg5 : memref<128xf32, #tpu.memory_space<vmem>>) target(%dma_start3A_523 : memref<10240xf32, #tpu.memory_space<vmem_shared>>) offsets(%dma_start3A_521 : memref<128xi32, #tpu.memory_space<vmem>>) semaphore(%arg8 : memref<!tpu.dma_semaphore, #tpu.memory_space<semaphore_mem>>) {add = true}
      %add3A_524 = arith.constant 8 : i32
      %add3A_525 = arith.addi %mul3A_403, %add3A_524 : i32
      %dma_start3A_526 = arith.constant 0 : i32
      %dma_start3A_527 = tpu.memref_slice %arg4[%add3A_525, %dma_start3A_526] : memref<32x128xi32, #tpu.memory_space<vmem>> -> memref<1x128xi32, #tpu.memory_space<vmem>>
      %dma_start3A_528 = tpu.memref_squeeze %dma_start3A_527 : memref<1x128xi32, #tpu.memory_space<vmem>> -> memref<128xi32, #tpu.memory_space<vmem>>
      %dma_start3A_529 = arith.constant 0 : i32
      %dma_start3A_530 = tpu.memref_slice %arg7[%dma_start3A_529] : memref<10240xf32, #tpu.memory_space<vmem_shared>> -> memref<10240xf32, #tpu.memory_space<vmem_shared>>
      tpu.enqueue_indirect_dma source(%arg5 : memref<128xf32, #tpu.memory_space<vmem>>) target(%dma_start3A_530 : memref<10240xf32, #tpu.memory_space<vmem_shared>>) offsets(%dma_start3A_528 : memref<128xi32, #tpu.memory_space<vmem>>) semaphore(%arg8 : memref<!tpu.dma_semaphore, #tpu.memory_space<semaphore_mem>>) {add = true}
      %add3A_531 = arith.constant 9 : i32
      %add3A_532 = arith.addi %mul3A_403, %add3A_531 : i32
      %dma_start3A_533 = arith.constant 0 : i32
      %dma_start3A_534 = tpu.memref_slice %arg4[%add3A_532, %dma_start3A_533] : memref<32x128xi32, #tpu.memory_space<vmem>> -> memref<1x128xi32, #tpu.memory_space<vmem>>
      %dma_start3A_535 = tpu.memref_squeeze %dma_start3A_534 : memref<1x128xi32, #tpu.memory_space<vmem>> -> memref<128xi32, #tpu.memory_space<vmem>>
      %dma_start3A_536 = arith.constant 0 : i32
      %dma_start3A_537 = tpu.memref_slice %arg7[%dma_start3A_536] : memref<10240xf32, #tpu.memory_space<vmem_shared>> -> memref<10240xf32, #tpu.memory_space<vmem_shared>>
      tpu.enqueue_indirect_dma source(%arg5 : memref<128xf32, #tpu.memory_space<vmem>>) target(%dma_start3A_537 : memref<10240xf32, #tpu.memory_space<vmem_shared>>) offsets(%dma_start3A_535 : memref<128xi32, #tpu.memory_space<vmem>>) semaphore(%arg8 : memref<!tpu.dma_semaphore, #tpu.memory_space<semaphore_mem>>) {add = true}
      %add3A_538 = arith.constant 10 : i32
      %add3A_539 = arith.addi %mul3A_403, %add3A_538 : i32
      %dma_start3A_540 = arith.constant 0 : i32
      %dma_start3A_541 = tpu.memref_slice %arg4[%add3A_539, %dma_start3A_540] : memref<32x128xi32, #tpu.memory_space<vmem>> -> memref<1x128xi32, #tpu.memory_space<vmem>>
      %dma_start3A_542 = tpu.memref_squeeze %dma_start3A_541 : memref<1x128xi32, #tpu.memory_space<vmem>> -> memref<128xi32, #tpu.memory_space<vmem>>
      %dma_start3A_543 = arith.constant 0 : i32
      %dma_start3A_544 = tpu.memref_slice %arg7[%dma_start3A_543] : memref<10240xf32, #tpu.memory_space<vmem_shared>> -> memref<10240xf32, #tpu.memory_space<vmem_shared>>
      tpu.enqueue_indirect_dma source(%arg5 : memref<128xf32, #tpu.memory_space<vmem>>) target(%dma_start3A_544 : memref<10240xf32, #tpu.memory_space<vmem_shared>>) offsets(%dma_start3A_542 : memref<128xi32, #tpu.memory_space<vmem>>) semaphore(%arg8 : memref<!tpu.dma_semaphore, #tpu.memory_space<semaphore_mem>>) {add = true}
      %add3A_545 = arith.constant 11 : i32
      %add3A_546 = arith.addi %mul3A_403, %add3A_545 : i32
      %dma_start3A_547 = arith.constant 0 : i32
      %dma_start3A_548 = tpu.memref_slice %arg4[%add3A_546, %dma_start3A_547] : memref<32x128xi32, #tpu.memory_space<vmem>> -> memref<1x128xi32, #tpu.memory_space<vmem>>
      %dma_start3A_549 = tpu.memref_squeeze %dma_start3A_548 : memref<1x128xi32, #tpu.memory_space<vmem>> -> memref<128xi32, #tpu.memory_space<vmem>>
      %dma_start3A_550 = arith.constant 0 : i32
      %dma_start3A_551 = tpu.memref_slice %arg7[%dma_start3A_550] : memref<10240xf32, #tpu.memory_space<vmem_shared>> -> memref<10240xf32, #tpu.memory_space<vmem_shared>>
      tpu.enqueue_indirect_dma source(%arg5 : memref<128xf32, #tpu.memory_space<vmem>>) target(%dma_start3A_551 : memref<10240xf32, #tpu.memory_space<vmem_shared>>) offsets(%dma_start3A_549 : memref<128xi32, #tpu.memory_space<vmem>>) semaphore(%arg8 : memref<!tpu.dma_semaphore, #tpu.memory_space<semaphore_mem>>) {add = true}
      %add3A_552 = arith.constant 12 : i32
      %add3A_553 = arith.addi %mul3A_403, %add3A_552 : i32
      %dma_start3A_554 = arith.constant 0 : i32
      %dma_start3A_555 = tpu.memref_slice %arg4[%add3A_553, %dma_start3A_554] : memref<32x128xi32, #tpu.memory_space<vmem>> -> memref<1x128xi32, #tpu.memory_space<vmem>>
      %dma_start3A_556 = tpu.memref_squeeze %dma_start3A_555 : memref<1x128xi32, #tpu.memory_space<vmem>> -> memref<128xi32, #tpu.memory_space<vmem>>
      %dma_start3A_557 = arith.constant 0 : i32
      %dma_start3A_558 = tpu.memref_slice %arg7[%dma_start3A_557] : memref<10240xf32, #tpu.memory_space<vmem_shared>> -> memref<10240xf32, #tpu.memory_space<vmem_shared>>
      tpu.enqueue_indirect_dma source(%arg5 : memref<128xf32, #tpu.memory_space<vmem>>) target(%dma_start3A_558 : memref<10240xf32, #tpu.memory_space<vmem_shared>>) offsets(%dma_start3A_556 : memref<128xi32, #tpu.memory_space<vmem>>) semaphore(%arg8 : memref<!tpu.dma_semaphore, #tpu.memory_space<semaphore_mem>>) {add = true}
      %add3A_559 = arith.constant 13 : i32
      %add3A_560 = arith.addi %mul3A_403, %add3A_559 : i32
      %dma_start3A_561 = arith.constant 0 : i32
      %dma_start3A_562 = tpu.memref_slice %arg4[%add3A_560, %dma_start3A_561] : memref<32x128xi32, #tpu.memory_space<vmem>> -> memref<1x128xi32, #tpu.memory_space<vmem>>
      %dma_start3A_563 = tpu.memref_squeeze %dma_start3A_562 : memref<1x128xi32, #tpu.memory_space<vmem>> -> memref<128xi32, #tpu.memory_space<vmem>>
      %dma_start3A_564 = arith.constant 0 : i32
      %dma_start3A_565 = tpu.memref_slice %arg7[%dma_start3A_564] : memref<10240xf32, #tpu.memory_space<vmem_shared>> -> memref<10240xf32, #tpu.memory_space<vmem_shared>>
      tpu.enqueue_indirect_dma source(%arg5 : memref<128xf32, #tpu.memory_space<vmem>>) target(%dma_start3A_565 : memref<10240xf32, #tpu.memory_space<vmem_shared>>) offsets(%dma_start3A_563 : memref<128xi32, #tpu.memory_space<vmem>>) semaphore(%arg8 : memref<!tpu.dma_semaphore, #tpu.memory_space<semaphore_mem>>) {add = true}
      %add3A_566 = arith.constant 14 : i32
      %add3A_567 = arith.addi %mul3A_403, %add3A_566 : i32
      %dma_start3A_568 = arith.constant 0 : i32
      %dma_start3A_569 = tpu.memref_slice %arg4[%add3A_567, %dma_start3A_568] : memref<32x128xi32, #tpu.memory_space<vmem>> -> memref<1x128xi32, #tpu.memory_space<vmem>>
      %dma_start3A_570 = tpu.memref_squeeze %dma_start3A_569 : memref<1x128xi32, #tpu.memory_space<vmem>> -> memref<128xi32, #tpu.memory_space<vmem>>
      %dma_start3A_571 = arith.constant 0 : i32
      %dma_start3A_572 = tpu.memref_slice %arg7[%dma_start3A_571] : memref<10240xf32, #tpu.memory_space<vmem_shared>> -> memref<10240xf32, #tpu.memory_space<vmem_shared>>
      tpu.enqueue_indirect_dma source(%arg5 : memref<128xf32, #tpu.memory_space<vmem>>) target(%dma_start3A_572 : memref<10240xf32, #tpu.memory_space<vmem_shared>>) offsets(%dma_start3A_570 : memref<128xi32, #tpu.memory_space<vmem>>) semaphore(%arg8 : memref<!tpu.dma_semaphore, #tpu.memory_space<semaphore_mem>>) {add = true}
      %add3A_573 = arith.constant 15 : i32
      %add3A_574 = arith.addi %mul3A_403, %add3A_573 : i32
      %dma_start3A_575 = arith.constant 0 : i32
      %dma_start3A_576 = tpu.memref_slice %arg4[%add3A_574, %dma_start3A_575] : memref<32x128xi32, #tpu.memory_space<vmem>> -> memref<1x128xi32, #tpu.memory_space<vmem>>
      %dma_start3A_577 = tpu.memref_squeeze %dma_start3A_576 : memref<1x128xi32, #tpu.memory_space<vmem>> -> memref<128xi32, #tpu.memory_space<vmem>>
      %dma_start3A_578 = arith.constant 0 : i32
      %dma_start3A_579 = tpu.memref_slice %arg7[%dma_start3A_578] : memref<10240xf32, #tpu.memory_space<vmem_shared>> -> memref<10240xf32, #tpu.memory_space<vmem_shared>>
      tpu.enqueue_indirect_dma source(%arg5 : memref<128xf32, #tpu.memory_space<vmem>>) target(%dma_start3A_579 : memref<10240xf32, #tpu.memory_space<vmem_shared>>) offsets(%dma_start3A_577 : memref<128xi32, #tpu.memory_space<vmem>>) semaphore(%arg8 : memref<!tpu.dma_semaphore, #tpu.memory_space<semaphore_mem>>) {add = true}
      %add3A_580 = arith.constant 1 : i32
      %add3A_581 = arith.addi %scan3A_388, %add3A_580 : i32
      %sub3A = arith.constant 16 : i32
      %sub3A_582 = arith.subi %sub3A, %mul3A_403 : i32
      %mul3A_583 = arith.constant 16 : i32
      %mul3A_584 = arith.muli %add3A_581, %mul3A_583 : i32
      %add3A_585 = arith.addi %mul3A_2, %mul3A_584 : i32
      %min3A_586 = arith.constant 2544 : i32
      %min3A_587 = arith.minsi %add3A_585, %min3A_586 : i32
      %dma_start3A_588 = arith.constant 0 : i32
      %dma_start3A_589 = tpu.memref_slice %arg4[%sub3A_582, %dma_start3A_588] : memref<32x128xi32, #tpu.memory_space<vmem>> -> memref<16x128xi32, #tpu.memory_space<vmem>>
      %dma_start3A_590 = arith.constant 0 : i32
      %dma_start3A_591 = tpu.memref_slice %arg2[%min3A_587, %dma_start3A_590] : memref<2560x128xi32, #tpu.memory_space<hbm>> -> memref<16x128xi32, #tpu.memory_space<hbm>>
      %dma_start3A_592 = arith.constant 0 : i32
      %dma_start3A_593 = tpu.memref_slice %arg4[%sub3A_582, %dma_start3A_592] : memref<32x128xi32, #tpu.memory_space<vmem>> -> memref<16x128xi32, #tpu.memory_space<vmem>>
      %dma_start3A_594 = arith.constant 0 : i32
      %dma_start3A_595 = tpu.memref_slice %arg2[%min3A_587, %dma_start3A_594] : memref<2560x128xi32, #tpu.memory_space<hbm>> -> memref<16x128xi32, #tpu.memory_space<hbm>>
      tpu.enqueue_dma source(%dma_start3A_595 : memref<16x128xi32, #tpu.memory_space<hbm>>) target(%dma_start3A_593 : memref<16x128xi32, #tpu.memory_space<vmem>>) target_semaphore(%arg9 : memref<!tpu.dma_semaphore, #tpu.memory_space<semaphore_mem>>)
    }
    %scan3A_311 = arith.constant 4 : i32
    %dma_wait3A = arith.constant 0 : i32
    %dma_wait3A_312 = tpu.memref_slice %arg7[%dma_wait3A] : memref<10240xf32, #tpu.memory_space<vmem_shared>> -> memref<128xf32, #tpu.memory_space<vmem_shared>>
    %dma_wait3A_313 = arith.constant 0 : i32
    %dma_wait3A_314 = tpu.memref_slice %arg7[%dma_wait3A_313] : memref<10240xf32, #tpu.memory_space<vmem_shared>> -> memref<128xf32, #tpu.memory_space<vmem_shared>>
    tpu.wait_dma2 semaphore(%arg8 : memref<!tpu.dma_semaphore, #tpu.memory_space<semaphore_mem>>) src(%arg5 : memref<128xf32, #tpu.memory_space<vmem>>) dst(%dma_wait3A_314 : memref<128xf32, #tpu.memory_space<vmem_shared>>)
    %dma_wait3A_315 = arith.constant 0 : i32
    %dma_wait3A_316 = tpu.memref_slice %arg7[%dma_wait3A_315] : memref<10240xf32, #tpu.memory_space<vmem_shared>> -> memref<128xf32, #tpu.memory_space<vmem_shared>>
    %dma_wait3A_317 = arith.constant 0 : i32
    %dma_wait3A_318 = tpu.memref_slice %arg7[%dma_wait3A_317] : memref<10240xf32, #tpu.memory_space<vmem_shared>> -> memref<128xf32, #tpu.memory_space<vmem_shared>>
    tpu.wait_dma2 semaphore(%arg8 : memref<!tpu.dma_semaphore, #tpu.memory_space<semaphore_mem>>) src(%arg5 : memref<128xf32, #tpu.memory_space<vmem>>) dst(%dma_wait3A_318 : memref<128xf32, #tpu.memory_space<vmem_shared>>)
    %dma_wait3A_319 = arith.constant 0 : i32
    %dma_wait3A_320 = tpu.memref_slice %arg7[%dma_wait3A_319] : memref<10240xf32, #tpu.memory_space<vmem_shared>> -> memref<128xf32, #tpu.memory_space<vmem_shared>>
    %dma_wait3A_321 = arith.constant 0 : i32
    %dma_wait3A_322 = tpu.memref_slice %arg7[%dma_wait3A_321] : memref<10240xf32, #tpu.memory_space<vmem_shared>> -> memref<128xf32, #tpu.memory_space<vmem_shared>>
    tpu.wait_dma2 semaphore(%arg8 : memref<!tpu.dma_semaphore, #tpu.memory_space<semaphore_mem>>) src(%arg5 : memref<128xf32, #tpu.memory_space<vmem>>) dst(%dma_wait3A_322 : memref<128xf32, #tpu.memory_space<vmem_shared>>)
    %dma_wait3A_323 = arith.constant 0 : i32
    %dma_wait3A_324 = tpu.memref_slice %arg7[%dma_wait3A_323] : memref<10240xf32, #tpu.memory_space<vmem_shared>> -> memref<128xf32, #tpu.memory_space<vmem_shared>>
    %dma_wait3A_325 = arith.constant 0 : i32
    %dma_wait3A_326 = tpu.memref_slice %arg7[%dma_wait3A_325] : memref<10240xf32, #tpu.memory_space<vmem_shared>> -> memref<128xf32, #tpu.memory_space<vmem_shared>>
    tpu.wait_dma2 semaphore(%arg8 : memref<!tpu.dma_semaphore, #tpu.memory_space<semaphore_mem>>) src(%arg5 : memref<128xf32, #tpu.memory_space<vmem>>) dst(%dma_wait3A_326 : memref<128xf32, #tpu.memory_space<vmem_shared>>)
    %dma_wait3A_327 = arith.constant 0 : i32
    %dma_wait3A_328 = tpu.memref_slice %arg7[%dma_wait3A_327] : memref<10240xf32, #tpu.memory_space<vmem_shared>> -> memref<128xf32, #tpu.memory_space<vmem_shared>>
    %dma_wait3A_329 = arith.constant 0 : i32
    %dma_wait3A_330 = tpu.memref_slice %arg7[%dma_wait3A_329] : memref<10240xf32, #tpu.memory_space<vmem_shared>> -> memref<128xf32, #tpu.memory_space<vmem_shared>>
    tpu.wait_dma2 semaphore(%arg8 : memref<!tpu.dma_semaphore, #tpu.memory_space<semaphore_mem>>) src(%arg5 : memref<128xf32, #tpu.memory_space<vmem>>) dst(%dma_wait3A_330 : memref<128xf32, #tpu.memory_space<vmem_shared>>)
    %dma_wait3A_331 = arith.constant 0 : i32
    %dma_wait3A_332 = tpu.memref_slice %arg7[%dma_wait3A_331] : memref<10240xf32, #tpu.memory_space<vmem_shared>> -> memref<128xf32, #tpu.memory_space<vmem_shared>>
    %dma_wait3A_333 = arith.constant 0 : i32
    %dma_wait3A_334 = tpu.memref_slice %arg7[%dma_wait3A_333] : memref<10240xf32, #tpu.memory_space<vmem_shared>> -> memref<128xf32, #tpu.memory_space<vmem_shared>>
    tpu.wait_dma2 semaphore(%arg8 : memref<!tpu.dma_semaphore, #tpu.memory_space<semaphore_mem>>) src(%arg5 : memref<128xf32, #tpu.memory_space<vmem>>) dst(%dma_wait3A_334 : memref<128xf32, #tpu.memory_space<vmem_shared>>)
    %dma_wait3A_335 = arith.constant 0 : i32
    %dma_wait3A_336 = tpu.memref_slice %arg7[%dma_wait3A_335] : memref<10240xf32, #tpu.memory_space<vmem_shared>> -> memref<128xf32, #tpu.memory_space<vmem_shared>>
    %dma_wait3A_337 = arith.constant 0 : i32
    %dma_wait3A_338 = tpu.memref_slice %arg7[%dma_wait3A_337] : memref<10240xf32, #tpu.memory_space<vmem_shared>> -> memref<128xf32, #tpu.memory_space<vmem_shared>>
    tpu.wait_dma2 semaphore(%arg8 : memref<!tpu.dma_semaphore, #tpu.memory_space<semaphore_mem>>) src(%arg5 : memref<128xf32, #tpu.memory_space<vmem>>) dst(%dma_wait3A_338 : memref<128xf32, #tpu.memory_space<vmem_shared>>)
    %dma_wait3A_339 = arith.constant 0 : i32
    %dma_wait3A_340 = tpu.memref_slice %arg7[%dma_wait3A_339] : memref<10240xf32, #tpu.memory_space<vmem_shared>> -> memref<128xf32, #tpu.memory_space<vmem_shared>>
    %dma_wait3A_341 = arith.constant 0 : i32
    %dma_wait3A_342 = tpu.memref_slice %arg7[%dma_wait3A_341] : memref<10240xf32, #tpu.memory_space<vmem_shared>> -> memref<128xf32, #tpu.memory_space<vmem_shared>>
    tpu.wait_dma2 semaphore(%arg8 : memref<!tpu.dma_semaphore, #tpu.memory_space<semaphore_mem>>) src(%arg5 : memref<128xf32, #tpu.memory_space<vmem>>) dst(%dma_wait3A_342 : memref<128xf32, #tpu.memory_space<vmem_shared>>)
    %dma_wait3A_343 = arith.constant 0 : i32
    %dma_wait3A_344 = tpu.memref_slice %arg7[%dma_wait3A_343] : memref<10240xf32, #tpu.memory_space<vmem_shared>> -> memref<128xf32, #tpu.memory_space<vmem_shared>>
    %dma_wait3A_345 = arith.constant 0 : i32
    %dma_wait3A_346 = tpu.memref_slice %arg7[%dma_wait3A_345] : memref<10240xf32, #tpu.memory_space<vmem_shared>> -> memref<128xf32, #tpu.memory_space<vmem_shared>>
    tpu.wait_dma2 semaphore(%arg8 : memref<!tpu.dma_semaphore, #tpu.memory_space<semaphore_mem>>) src(%arg5 : memref<128xf32, #tpu.memory_space<vmem>>) dst(%dma_wait3A_346 : memref<128xf32, #tpu.memory_space<vmem_shared>>)
    %dma_wait3A_347 = arith.constant 0 : i32
    %dma_wait3A_348 = tpu.memref_slice %arg7[%dma_wait3A_347] : memref<10240xf32, #tpu.memory_space<vmem_shared>> -> memref<128xf32, #tpu.memory_space<vmem_shared>>
    %dma_wait3A_349 = arith.constant 0 : i32
    %dma_wait3A_350 = tpu.memref_slice %arg7[%dma_wait3A_349] : memref<10240xf32, #tpu.memory_space<vmem_shared>> -> memref<128xf32, #tpu.memory_space<vmem_shared>>
    tpu.wait_dma2 semaphore(%arg8 : memref<!tpu.dma_semaphore, #tpu.memory_space<semaphore_mem>>) src(%arg5 : memref<128xf32, #tpu.memory_space<vmem>>) dst(%dma_wait3A_350 : memref<128xf32, #tpu.memory_space<vmem_shared>>)
    %dma_wait3A_351 = arith.constant 0 : i32
    %dma_wait3A_352 = tpu.memref_slice %arg7[%dma_wait3A_351] : memref<10240xf32, #tpu.memory_space<vmem_shared>> -> memref<128xf32, #tpu.memory_space<vmem_shared>>
    %dma_wait3A_353 = arith.constant 0 : i32
    %dma_wait3A_354 = tpu.memref_slice %arg7[%dma_wait3A_353] : memref<10240xf32, #tpu.memory_space<vmem_shared>> -> memref<128xf32, #tpu.memory_space<vmem_shared>>
    tpu.wait_dma2 semaphore(%arg8 : memref<!tpu.dma_semaphore, #tpu.memory_space<semaphore_mem>>) src(%arg5 : memref<128xf32, #tpu.memory_space<vmem>>) dst(%dma_wait3A_354 : memref<128xf32, #tpu.memory_space<vmem_shared>>)
    %dma_wait3A_355 = arith.constant 0 : i32
    %dma_wait3A_356 = tpu.memref_slice %arg7[%dma_wait3A_355] : memref<10240xf32, #tpu.memory_space<vmem_shared>> -> memref<128xf32, #tpu.memory_space<vmem_shared>>
    %dma_wait3A_357 = arith.constant 0 : i32
    %dma_wait3A_358 = tpu.memref_slice %arg7[%dma_wait3A_357] : memref<10240xf32, #tpu.memory_space<vmem_shared>> -> memref<128xf32, #tpu.memory_space<vmem_shared>>
    tpu.wait_dma2 semaphore(%arg8 : memref<!tpu.dma_semaphore, #tpu.memory_space<semaphore_mem>>) src(%arg5 : memref<128xf32, #tpu.memory_space<vmem>>) dst(%dma_wait3A_358 : memref<128xf32, #tpu.memory_space<vmem_shared>>)
    %dma_wait3A_359 = arith.constant 0 : i32
    %dma_wait3A_360 = tpu.memref_slice %arg7[%dma_wait3A_359] : memref<10240xf32, #tpu.memory_space<vmem_shared>> -> memref<128xf32, #tpu.memory_space<vmem_shared>>
    %dma_wait3A_361 = arith.constant 0 : i32
    %dma_wait3A_362 = tpu.memref_slice %arg7[%dma_wait3A_361] : memref<10240xf32, #tpu.memory_space<vmem_shared>> -> memref<128xf32, #tpu.memory_space<vmem_shared>>
    tpu.wait_dma2 semaphore(%arg8 : memref<!tpu.dma_semaphore, #tpu.memory_space<semaphore_mem>>) src(%arg5 : memref<128xf32, #tpu.memory_space<vmem>>) dst(%dma_wait3A_362 : memref<128xf32, #tpu.memory_space<vmem_shared>>)
    %dma_wait3A_363 = arith.constant 0 : i32
    %dma_wait3A_364 = tpu.memref_slice %arg7[%dma_wait3A_363] : memref<10240xf32, #tpu.memory_space<vmem_shared>> -> memref<128xf32, #tpu.memory_space<vmem_shared>>
    %dma_wait3A_365 = arith.constant 0 : i32
    %dma_wait3A_366 = tpu.memref_slice %arg7[%dma_wait3A_365] : memref<10240xf32, #tpu.memory_space<vmem_shared>> -> memref<128xf32, #tpu.memory_space<vmem_shared>>
    tpu.wait_dma2 semaphore(%arg8 : memref<!tpu.dma_semaphore, #tpu.memory_space<semaphore_mem>>) src(%arg5 : memref<128xf32, #tpu.memory_space<vmem>>) dst(%dma_wait3A_366 : memref<128xf32, #tpu.memory_space<vmem_shared>>)
    %dma_wait3A_367 = arith.constant 0 : i32
    %dma_wait3A_368 = tpu.memref_slice %arg7[%dma_wait3A_367] : memref<10240xf32, #tpu.memory_space<vmem_shared>> -> memref<128xf32, #tpu.memory_space<vmem_shared>>
    %dma_wait3A_369 = arith.constant 0 : i32
    %dma_wait3A_370 = tpu.memref_slice %arg7[%dma_wait3A_369] : memref<10240xf32, #tpu.memory_space<vmem_shared>> -> memref<128xf32, #tpu.memory_space<vmem_shared>>
    tpu.wait_dma2 semaphore(%arg8 : memref<!tpu.dma_semaphore, #tpu.memory_space<semaphore_mem>>) src(%arg5 : memref<128xf32, #tpu.memory_space<vmem>>) dst(%dma_wait3A_370 : memref<128xf32, #tpu.memory_space<vmem_shared>>)
    %dma_wait3A_371 = arith.constant 0 : i32
    %dma_wait3A_372 = tpu.memref_slice %arg7[%dma_wait3A_371] : memref<10240xf32, #tpu.memory_space<vmem_shared>> -> memref<128xf32, #tpu.memory_space<vmem_shared>>
    %dma_wait3A_373 = arith.constant 0 : i32
    %dma_wait3A_374 = tpu.memref_slice %arg7[%dma_wait3A_373] : memref<10240xf32, #tpu.memory_space<vmem_shared>> -> memref<128xf32, #tpu.memory_space<vmem_shared>>
    tpu.wait_dma2 semaphore(%arg8 : memref<!tpu.dma_semaphore, #tpu.memory_space<semaphore_mem>>) src(%arg5 : memref<128xf32, #tpu.memory_space<vmem>>) dst(%dma_wait3A_374 : memref<128xf32, #tpu.memory_space<vmem_shared>>)
    %dma_wait3A_375 = arith.constant 0 : i32
    %dma_wait3A_376 = arith.constant 0 : i32
    %dma_wait3A_377 = tpu.memref_slice %arg4[%dma_wait3A_375, %dma_wait3A_376] : memref<32x128xi32, #tpu.memory_space<vmem>> -> memref<16x128xi32, #tpu.memory_space<vmem>>
    %dma_wait3A_378 = arith.constant 0 : i32
    %dma_wait3A_379 = arith.constant 0 : i32
    %dma_wait3A_380 = tpu.memref_slice %arg2[%dma_wait3A_378, %dma_wait3A_379] : memref<2560x128xi32, #tpu.memory_space<hbm>> -> memref<16x128xi32, #tpu.memory_space<hbm>>
    %dma_wait3A_381 = arith.constant 0 : i32
    %dma_wait3A_382 = arith.constant 0 : i32
    %dma_wait3A_383 = tpu.memref_slice %arg4[%dma_wait3A_381, %dma_wait3A_382] : memref<32x128xi32, #tpu.memory_space<vmem>> -> memref<16x128xi32, #tpu.memory_space<vmem>>
    %dma_wait3A_384 = arith.constant 0 : i32
    %dma_wait3A_385 = arith.constant 0 : i32
    %dma_wait3A_386 = tpu.memref_slice %arg2[%dma_wait3A_384, %dma_wait3A_385] : memref<2560x128xi32, #tpu.memory_space<hbm>> -> memref<16x128xi32, #tpu.memory_space<hbm>>
    tpu.wait_dma2 semaphore(%arg9 : memref<!tpu.dma_semaphore, #tpu.memory_space<semaphore_mem>>) src(%dma_wait3A_386 : memref<16x128xi32, #tpu.memory_space<hbm>>) dst(%dma_wait3A_383 : memref<16x128xi32, #tpu.memory_space<vmem>>)
    %barrier3A_387 = arith.constant 0 : index
    tpu.barrier barrier_id(%barrier3A_387)
    "tpu.region"() ({
      %run_scoped3A = tpu.sem_alloc : memref<!tpu.dma_semaphore, #tpu.memory_space<semaphore_mem>>
      %dma_start3A_388 = tpu.memref_slice %arg3[%arg0, %mul3A_198] : memref<2x10240xf32, #tpu.memory_space<hbm>> -> memref<1x640xf32, #tpu.memory_space<hbm>>
      %dma_start3A_389 = tpu.memref_squeeze %dma_start3A_388 : memref<1x640xf32, #tpu.memory_space<hbm>> -> memref<640xf32, #tpu.memory_space<hbm>>
      %dma_start3A_390 = tpu.memref_slice %arg7[%mul3A_198] : memref<10240xf32, #tpu.memory_space<vmem_shared>> -> memref<640xf32, #tpu.memory_space<vmem_shared>>
      tpu.enqueue_dma source(%dma_start3A_390 : memref<640xf32, #tpu.memory_space<vmem_shared>>) target(%dma_start3A_389 : memref<640xf32, #tpu.memory_space<hbm>>) target_semaphore(%run_scoped3A : memref<!tpu.dma_semaphore, #tpu.memory_space<semaphore_mem>>)
      %dma_wait3A_391 = tpu.memref_slice %arg3[%arg0, %mul3A_198] : memref<2x10240xf32, #tpu.memory_space<hbm>> -> memref<1x640xf32, #tpu.memory_space<hbm>>
      %dma_wait3A_392 = tpu.memref_squeeze %dma_wait3A_391 : memref<1x640xf32, #tpu.memory_space<hbm>> -> memref<640xf32, #tpu.memory_space<hbm>>
      %dma_wait3A_393 = tpu.memref_slice %arg7[%mul3A_198] : memref<10240xf32, #tpu.memory_space<vmem_shared>> -> memref<640xf32, #tpu.memory_space<vmem_shared>>
      tpu.wait_dma2 semaphore(%run_scoped3A : memref<!tpu.dma_semaphore, #tpu.memory_space<semaphore_mem>>) src(%dma_wait3A_393 : memref<640xf32, #tpu.memory_space<vmem_shared>>) dst(%dma_wait3A_392 : memref<640xf32, #tpu.memory_space<hbm>>)
      tpu.yield
    }) : () -> ()
    return
  }
}

</mosaic_0001>

<sc_bundles>
// kernel: _sc_degree.3.cloned.1.call-start
scs
__scs_entry_jumppad:
0x0: {  	(pc) =	sbr.rel $0x88, $3  }
0x1: {  	(tag) =	ssettag $0x0;
	lr =	simm.s32 $0x1  }
0x2: {  	[smem:$0x3FA0] =	sst lr;
	_ =	strace $0xD0000000  }
0x3: {  	_ = 	snop  }
0x4: {  	_ = 	snop  }
0x5: {  	_ = 	snop  }
0x6: {  	_ = 	snop  }
0x7: {  	_ = 	snop  }
__scs_overlays_trampoline_lowered:
0x8: {  	[smem:$0x3FAF] =	sst s0  }
0x9: {  	[smem:$0x3FB0] =	sst s1  }
0xa: {  	[smem:$0x3FB1] =	sst s2  }
0xb: {  	[smem:$0x3FB2] =	sst s3  }
0xc: {  	[smem:$0x3FB3] =	sst s4  }
0xd: {  	[smem:$0x3FB4] =	sst s5  }
0xe: {  	[smem:$0x3FB5] =	sst s6  }
0xf: {  	[smem:$0x3FB6] =	sst s7  }
0x10: {  	[smem:$0x3FB7] =	sst s8  }
0x11: {  	[smem:$0x3FB8] =	sst s9;
	s0 =	simm.s32 @!p0 $0x0  }
0x12: {  	s1 =	sld [smem:$0x3F9E];
	s0 =	simm.s32 @p0 $0x1  }
0x13: {  	[smem:$0x3FB9] =	sst s0;
	s0 =	simm.s32 @!p1 $0x0  }
0x14: {  	s2 =	sld [smem:$0x3F9D];
	s0 =	simm.s32 @p1 $0x1  }
0x15: {  	[smem:$0x3FBA] =	sst s0;
	s0 =	simm.s32 @!p2 $0x0  }
0x16: {  	s3 =	sld [smem:$0x3FDB];
	s0 =	simm.s32 @p2 $0x1  }
0x17: {  	s4 =	simm.s32 $0x1BF5;
	[smem:$0x3FBC] =	sst s0  }
0x18: {  	s0 =	sld [smem:$0x3F9F];
	_ =	swait.ge [sflag:s4], $0x0  }
0x19: {  	s7 =	sld [smem:$0x3FA0]  }
0x1a: {  	s8 =	sadd.s32 $0xFFFFE003, lr  }
0x1b: {  	s9 =	sadd.s32 $0xFFFFFEF7, lr;
	s5 =	simm.s32 $0xFFFFFFFF;
	p2 =	slt.u32 s8, $0xFFFFF086  }
0x1c: {  	p1 =	slt.u32 s9, $0xF7A;
	s5 =	simm.s32 @!p2 $0x0  }
0x1d: {  	s5 =	simm.s32 @p1 $0x1;
	p0 =	seq.s32 s7, s2  }
0x1e: {  	s7 =	smul.u32 @!p0 $0xF7A, s2;
	p2 =	seq.s32 @!p0 s5, $0x0  }
0x1f: {  	s9 =	smul.u32 $0xF7A, s1;
	s8 =	simm.s32 @!p0 $0x1BF5;
	p2 =	por !p2, p0  }
0x20: {  	[sflag:s8] =	ssyncset.s32 @!p0 $0xFFFFF086;
	s6 =	sadd.s32 @!p0 s3, s7;
	s7 =	simm.s32 @!p0 $0x108  }
0x21: {  	s3 =	sadd.s32 s3, s9;
	s6 =	sadd.s32 @!p0 $0x88, s6;
	s7 =	simm.s32 @p2 $0x1082  }
0x22: {  	[simem:s7], [sflag:s8] =	dma.local @!p0 [hbm:s6], $0xF7A  }
0x23: {  	s9 =	sor.u32 $0xD0000000, s2;
	s6 =	simm.s32 $0x108;
	_ =	swait.ge @!p0 [sflag:s8], $0x0  }
0x24: {  	s3 =	sadd.s32 $0x88, s3;
	s6 =	simm.s32 @!p1 $0x1082;
	[sflag:s4] =	ssyncset.s32 $0xFFFFF086  }
0x25: {  	[simem:s6], [sflag:s4] =	dma.local [hbm:s3], $0xF7A  }
0x26: {  	[smem:$0x3FA0] =	sst s1;
	(tag) =	ssettag s2;
	_ =	strace s9  }
0x27: {  	s1 =	sld [smem:$0x3FB0]  }
0x28: {  	s2 =	sld [smem:$0x3FB1]  }
0x29: {  	s4 =	sld [smem:$0x3FB3]  }
0x2a: {  	p0 =	seq.s32 s5, $0x0;
	s5 =	sld [smem:$0x3FB4]  }
0x2b: {  	s6 =	sld [smem:$0x3FB5]  }
0x2c: {  	s7 =	sld [smem:$0x3FB6]  }
0x2d: {  	s3 =	simm.s32 $0x108;
	s8 =	sld [smem:$0x3FB7]  }
0x2e: {  	s3 =	simm.s32 @!p0 $0x1082;
	s9 =	sld [smem:$0x3FB8]  }
0x2f: {  	lr =	sadd.s32 s0, s3;
	s0 =	sld [smem:$0x3FAF]  }
0x30: {  	s3 =	sld [smem:$0x3FB2]  }
0x31: {  	[smem:$0x3FBB] =	sst s10  }
0x32: {  	s10 =	sld [smem:$0x3FB9];
	_ =	sdelay $0x3  }
0x33: {  	p0 =	seq.s32 s10, $0x1;
	s10 =	sld [smem:$0x3FBB];
	_ =	sdelay $0x3  }
0x34: {  	[smem:$0x3FBB] =	sst s10  }
0x35: {  	s10 =	sld [smem:$0x3FBA];
	_ =	sdelay $0x3  }
0x36: {  	p1 =	seq.s32 s10, $0x1;
	s10 =	sld [smem:$0x3FBB];
	_ =	sdelay $0x3  }
0x37: {  	[smem:$0x3FBB] =	sst s10  }
0x38: {  	s10 =	sld [smem:$0x3FBC]  }
0x39: {  	_ = 	snop;
	(pc) =	sbr.ind lr, $3  }
0x3a: {  	_ = 	snop  }
0x3b: {  	_ = 	snop  }
0x3c: {  	p2 =	seq.s32 s10, $0x1;
	s10 =	sld [smem:$0x3FBB]  }
0x3d: {  	_ =	shalt  }
0x3e: {  	_ =	shalt  }
0x3f: {  	_ =	shalt  }
0x40: {  	_ =	shalt  }
0x41: {  	_ =	shalt  }
0x42: {  	_ =	shalt  }
0x43: {  	_ =	shalt  }
0x44: {  	_ =	shalt  }
0x45: {  	_ =	shalt  }
0x46: {  	_ =	shalt  }
0x47: {  	_ =	shalt  }
0x48: {  	_ =	shalt  }
0x49: {  	_ =	shalt  }
0x4a: {  	_ =	shalt  }
0x4b: {  	_ =	shalt  }
0x4c: {  	_ =	shalt  }
0x4d: {  	_ =	shalt  }
0x4e: {  	_ =	shalt  }
0x4f: {  	_ =	shalt  }
0x50: {  	_ =	shalt  }
0x51: {  	_ =	shalt  }
0x52: {  	_ =	shalt  }
0x53: {  	_ =	shalt  }
0x54: {  	_ =	shalt  }
0x55: {  	_ =	shalt  }
0x56: {  	_ =	shalt  }
0x57: {  	_ =	shalt  }
0x58: {  	_ =	shalt  }
0x59: {  	_ =	shalt  }
0x5a: {  	_ =	shalt  }
0x5b: {  	_ =	shalt  }
0x5c: {  	_ =	shalt  }
0x5d: {  	_ =	shalt  }
0x5e: {  	_ =	shalt  }
0x5f: {  	_ =	shalt  }
0x60: {  	_ =	shalt  }
0x61: {  	_ =	shalt  }
0x62: {  	_ =	shalt  }
0x63: {  	_ =	shalt  }
0x64: {  	_ =	shalt  }
0x65: {  	_ =	shalt  }
0x66: {  	_ =	shalt  }
0x67: {  	_ =	shalt  }
0x68: {  	_ =	shalt  }
0x69: {  	_ =	shalt  }
0x6a: {  	_ =	shalt  }
0x6b: {  	_ =	shalt  }
0x6c: {  	_ =	shalt  }
0x6d: {  	_ =	shalt  }
0x6e: {  	_ =	shalt  }
0x6f: {  	_ =	shalt  }
0x70: {  	_ =	shalt  }
0x71: {  	_ =	shalt  }
0x72: {  	_ =	shalt  }
0x73: {  	_ =	shalt  }
0x74: {  	_ =	shalt  }
0x75: {  	_ =	shalt  }
0x76: {  	_ =	shalt  }
0x77: {  	_ =	shalt  }
0x78: {  	_ =	shalt  }
0x79: {  	_ =	shalt  }
0x7a: {  	_ =	shalt  }
0x7b: {  	_ =	shalt  }
0x7c: {  	_ =	shalt  }
0x7d: {  	_ =	shalt  }
0x7e: {  	_ =	shalt  }
0x7f: {  	_ =	shalt  }
0x80: {  	_ =	shalt  }
0x81: {  	_ =	shalt  }
0x82: {  	_ =	shalt  }
0x83: {  	_ =	shalt  }
0x84: {  	_ =	shalt  }
0x85: {  	_ =	shalt  }
0x86: {  	_ =	shalt  }
0x87: {  	_ =	shalt  }
.Lfunc_end0:
.L_simem_size_0:
called_computation_lowered:
.L_overlay_start_0:
0x88: {  	s2 =	sld [smem:$0x3FD9]  }
0x89: {  	s3 =	sld [smem:$0x3FFE];
	_ =	sdelay $0x1  }
0x8a: {  	s1 =	srdreg.scid  }
0x8b: {  	s0 =	sand.u32 $0x1, s1  }
0x8c: {  	s18 =	sshll.u32 s0, $0xA;
	s2 =	sadd.s32 s3, s2  }
0x8d: {  	s2 =	sadd.s32 s2, s18  }
0x8e: {  	[smem:$0x3FC7] =	sst s2  }
0x8f: {  	_ = 	snop  }
0x90: {  	s2 =	sld [smem:$0x3FC9]  }
0x91: {  	s19 =	sld [smem:$0x3FD0];
	(tm) =	ssettm $0x1  }
0x92: {  	s4 =	sld [smem:$0x3FFB];
	_ =	sdelay $0x3  }
0x93: {  	_ =	strace s4  }
0x94: {  	s4 =	sld [smem:$0x3FFC];
	_ =	sdelay $0x3  }
0x95: {  	_ =	strace s4  }
0x96: {  	s4 =	sld [smem:$0x3FFD];
	_ =	sdelay $0x3  }
0x97: {  	_ =	strace s4  }
0x98: {  	_ =	strace $0x8FFFFFFF  }
0x99: {  	s20 =	sld [smem:$0x3FDB];
	_ =	sdelay $0x1  }
0x9a: {  	s5 =	simm.s32 $_scs_section_size  }
0x9b: {  	s6 =	simm.s32 $_size__tile_overlayer_lowered;
	s7 =	simm.s32 $_tile_overlayer_lowered  }
0x9c: {  	s23 =	simm.s32 $0x1BFF;
	s22 =	sshll.u32 s7, $0x1;
	s4 =	sadd.s32 s5, s20  }
0x9d: {  	s8 =	simm.s32 $0x0;
	s21 =	sshll.u32 s6, $0x1;
	s6 =	sadd.s32 s22, s4  }
0x9e: {  	[timem:s8], [sflag:s23] =	dma.local [hbm:s6], s21  }
0x9f: {  	_ =	swait.ge [sflag:s23], s21  }
0xa0: {  	s5 =	ssub.s32 $0x0, s21;
	[sflag:s23] =	ssyncset.done $0x0  }
0xa1: {  	[sflag:s23] =	ssyncadd.s32 s5;
	_ =	sdelay $0x1  }
0xa2: {  	s24 =	simm.s32 $0x1B8B  }
0xa3: {  	_ =	swait.ge [sflag:s24], $0x1  }
0xa4: {  	[sflag:s24] =	ssyncset.done $0x0  }
0xa5: {  	s25 =	simm.s32 $0x1B8E;
	[sflag:s24] =	ssyncadd.s32 $0xFFFFFFFF  }
0xa6: {  	s26 =	simm.s32 $execute0_lowered;
	[smem:$0x3FD2] =	sst s25  }
0xa7: {  	s5 =	sshll.u32 s26, $0x1;
	_ =	strace $0x80000046;
	[dreg:$0x1] =	wrdreg $0xFFFFFFFF  }
0xa8: {  	s28 =	simm.s32 $_size_execute0_lowered;
	s4 =	sadd.s32 s4, s5;
	[dreg:$0x0] =	wrdreg $0x0  }
0xa9: {  	s5 =	sshll.u32 s28, $0x1;
	[dreg:$0x2] =	wrdreg s4  }
0xaa: {  	[dreg:$0x3] =	wrdreg s5  }
0xab: {  	[dreg:$0x4] =	wrdreg $0xC0  }
0xac: {  	_ =	task [dreg:s8], $0x5FFFF  }
0xad: {  	[dreg:$0x1] =	wrdreg $0xFFFFFFFF  }
0xae: {  	[dreg:$0x0] =	wrdreg $0x60  }
0xaf: {  	[dreg:$0x2] =	wrdreg s2  }
0xb0: {  	[dreg:$0x3] =	wrdreg s19  }
0xb1: {  	[dreg:$0x4] =	wrdreg $0x13000  }
0xb2: {  	[dreg:$0x5] =	wrdreg $0x9  }
0xb3: {  	_ =	task.clear_ibuf [dreg:s8], $0x6FFFF;
	_ =	strace $0x90000046  }
0xb4: {  	s29 =	simm.s32 $0x9;
	_ =	strace $0x80000048  }
0xb5: {  	_ =	swait.ge [sflag:s29], $0x1  }
0xb6: {  	[sflag:s29] =	ssyncadd.s32 $0xFFFFFFFF  }
0xb7: {  	_ =	strace $0x90000048  }
0xb8: {  	_ =	sfence  }
0xb9: {  	s30 =	sld [smem:$0x0];
	_ =	sdelay $0x2  }
0xba: {  	s31 =	sshll.u32 s1, $0xD;
	s1 =	sshrl.u32 s1, $0x2  }
0xbb: {  	s3 =	sand.u32 $0x4000, s31;
	s1 =	sadd.s32 s1, s30  }
0xbc: {  	s0 =	sor.u32 s3, s0;
	s1 =	sshll.u32 s1, $0x11  }
0xbd: {  	s0 =	sor.u32 s1, s0  }
0xbe: {  	s0 =	sadd.s32 $0x8F2B, s0  }
0xbf: {  	[sflag:s0] =	ssyncadd.remote.s32 $0x1  }
0xc0: {  	_ =	sfence.sel $0xFFFF  }
0xc1: {  	[dreg:$0x0] =	wrdreg $0xFFFFFFFF;
	(pc) =	sbr.abs _section_cstart, $3  }
0xc2: {  	[dreg:$0x1] =	wrdreg $0xFFFFFFFF  }
0xc3: {  	_ =	task.clear_ibuf [dreg:s8], $0x2FFFF;
	_ =	strace $0x9FFFFFFF  }
0xc4: {  	(tm) =	ssettm $0x7FFFFFFF  }
0xc5: {  	_ =	shalt  }
tec
execute0_lowered:
.L_overlay_start_1:
0x0: {  	(tag) =	ssettag $0x1  }
0x1: {  	s1 =	rddreg [dreg:$0x0]  }
0x2: {  	s8 =	rddreg [dreg:$0x1]  }
0x3: {  	s0 =	srdreg.scid;
	s3 =	rddreg [dreg:$0x2]  }
0x4: {  	s13 =	simm.s32 $0x80;
	s14 =	simm.s32 $0x1000;
	s22 =	simm.s32 $0x480  }
0x5: {  	s23 =	simm.s32 $0x500;
	s24 =	simm.s32 $0x580;
	s28 =	simm.s32 $0x700  }
0x6: {  	s29 =	simm.s32 $0x780;
	s2 =	sand.u32 $0x1, s0;
	s0 =	stileid.u32  }
0x7: {  	s30 =	simm.s32 $0x800;
	s31 =	simm.s32 $0x2;
	s7 =	smul.u32 $0xA00, s0  }
0x8: {  	s15 =	simm.s32 $0x10;
	s16 =	simm.s32 $0x0;
	s10 =	smul.u32 $0x500, s0  }
0x9: {  	s4 =	sshll.u32 s2, $0x4;
	s6 =	ssub.s32 $0x2, s2;
	s11 =	smul.u32 $0x500, s2  }
0xa: {  	s2 =	sshll.u32 s2, $0x7;
	s12 =	smul.u32 $0x50, s0;
	s4 =	sor.u32 s0, s4  }
0xb: {  	s9 =	sshrl.u32 s6, $0x1;
	s5 =	smul.u32 $0x500, s4;
	s4 =	simm.s32 $0x0  }
0xc: {  	s9 =	ssub.s32 s6, s9;
	s25 =	sshrl.u32 s7, $0x2;
	s2 =	sor.u32 s2, s10  }
0xd: {  	s26 =	sadd.s32 s12, s11;
	s11 =	simm.s32 $0x3;
	s12 =	simm.s32 $0x20  }
0xe: {  	[smem:$0x7FF] =	sst s4;
	s6 =	sadd.s32 s25, s3;
	s2 =	sshrl.u32 s2, $0x3  }
0xf: {  	s9 =	smax.u32 s9, $0x1;
	s21 =	sadd.s32 $0x20, s26;
	s25 =	simm.s32 $0x600  }
0x10: {  	s26 =	simm.s32 $0x680;
	_ =	strace $0x80000047;
	s5 =	sadd.s32 s1, s5  }
0x11: {  	v0 =	vimm.f32 $1.000000000e+00;
	v1 =	vimm.f32 $0.0e+00;
	s8 =	sadd.s32 s8, s2;
	s2 =	simm.s32 $0x1;
	s7 =	sadd.s32 $0x100, s5  }
.LBB2_1:
0x12: {  	[tilespmem:$0x1000] =	vst v0  }
0x13: {  	[tilespmem:$0x1010] =	vst v0  }
0x14: {  	[tilespmem:$0x1020] =	vst v0  }
0x15: {  	[tilespmem:$0x1030] =	vst v0  }
0x16: {  	[tilespmem:$0x1040] =	vst v0  }
0x17: {  	[tilespmem:$0x1050] =	vst v0  }
0x18: {  	[tilespmem:$0x1060] =	vst v0  }
0x19: {  	[tilespmem:$0x1070] =	vst v0  }
0x1a: {  	[tilespmem:s4], [sflag:$0x3] =	stream.linear.gather [hbm4b:s5+s4], $0x800, $0x38;
	[tilespmem:$0x1580] =	vst v63  }
0x1b: {  	_ =	swait.ge [sflag:s11], $0x800  }
0x1c: {  	[sflag:s11] =	ssyncset.done $0x0  }
0x1d: {  	[sflag:s11] =	ssyncadd.s32 $0xFFFFF800  }
0x1e: {  	[tilespmem:$0x1080] =	vst v1  }
0x1f: {  	[tilespmem:$0x1090] =	vst v1  }
0x20: {  	[tilespmem:$0x10A0] =	vst v1  }
0x21: {  	[tilespmem:$0x10B0] =	vst v1  }
0x22: {  	[tilespmem:$0x10C0] =	vst v1  }
0x23: {  	[tilespmem:$0x10D0] =	vst v1  }
0x24: {  	[tilespmem:$0x10E0] =	vst v1  }
0x25: {  	[tilespmem:$0x10F0] =	vst v1  }
0x26: {  	[tilespmem:$0x1100] =	vst v1  }
0x27: {  	[tilespmem:$0x1110] =	vst v1  }
0x28: {  	[tilespmem:$0x1120] =	vst v1  }
0x29: {  	[tilespmem:$0x1130] =	vst v1  }
0x2a: {  	[tilespmem:$0x1140] =	vst v1  }
0x2b: {  	[tilespmem:$0x1150] =	vst v1  }
0x2c: {  	[tilespmem:$0x1160] =	vst v1  }
0x2d: {  	[tilespmem:$0x1170] =	vst v1  }
0x2e: {  	[tilespmem:$0x1180] =	vst v1  }
0x2f: {  	[tilespmem:$0x1190] =	vst v1  }
0x30: {  	[tilespmem:$0x11A0] =	vst v1  }
0x31: {  	[tilespmem:$0x11B0] =	vst v1  }
0x32: {  	[tilespmem:$0x11C0] =	vst v1  }
0x33: {  	[tilespmem:$0x11D0] =	vst v1  }
0x34: {  	[tilespmem:$0x11E0] =	vst v1  }
0x35: {  	[tilespmem:$0x11F0] =	vst v1  }
0x36: {  	[tilespmem:$0x1200] =	vst v1  }
0x37: {  	[tilespmem:$0x1210] =	vst v1  }
0x38: {  	[tilespmem:$0x1220] =	vst v1  }
0x39: {  	[tilespmem:$0x1230] =	vst v1  }
0x3a: {  	[tilespmem:$0x1240] =	vst v1  }
0x3b: {  	[tilespmem:$0x1250] =	vst v1  }
0x3c: {  	[tilespmem:$0x1260] =	vst v1  }
0x3d: {  	[tilespmem:$0x1270] =	vst v1  }
0x3e: {  	[tilespmem:$0x1280] =	vst v1  }
0x3f: {  	[tilespmem:$0x1290] =	vst v1  }
0x40: {  	[tilespmem:$0x12A0] =	vst v1  }
0x41: {  	[tilespmem:$0x12B0] =	vst v1  }
0x42: {  	[tilespmem:$0x12C0] =	vst v1  }
0x43: {  	[tilespmem:$0x12D0] =	vst v1  }
0x44: {  	[tilespmem:$0x12E0] =	vst v1  }
0x45: {  	s10 =	simm.s32 $0x1080;
	[tilespmem:$0x12F0] =	vst v1  }
0x46: {  	[spmem:s6] =	stream.linear.scatter [tilespmem:s10], [sflag:$0x3], $0x280, $0x38;
	[tilespmem:$0x1580] =	vst v63  }
0x47: {  	_ =	swait.ge [sflag:s11], $0x280  }
0x48: {  	[sflag:s11] =	ssyncset.done $0x0  }
0x49: {  	[sflag:s11] =	ssyncadd.s32 $0xFFFFFD80  }
0x4a: {  	[bflag:$0x0] =	sbarrier.arrive $0xFFFF  }
0x4b: {  	[spmem:s3] =	stream.indirect.scatter.add.f32 [tilespmem:s14], [sflag:$0x1], $0x1, s4, s13, $0xb8;
	[tilespmem:$0x1580] =	vst v63  }
0x4c: {  	_ = 	snop  }
0x4d: {  	[spmem:s3] =	stream.indirect.scatter.add.f32 [tilespmem:s14], [sflag:$0x1], $0x1, s13, s13, $0xb8;
	[tilespmem:$0x1580] =	vst v63  }
0x4e: {  	s18 =	simm.s32 $0x100  }
0x4f: {  	[spmem:s3] =	stream.indirect.scatter.add.f32 [tilespmem:s14], [sflag:$0x1], $0x1, s18, s13, $0xb8;
	[tilespmem:$0x1580] =	vst v63  }
0x50: {  	s19 =	simm.s32 $0x180  }
0x51: {  	[spmem:s3] =	stream.indirect.scatter.add.f32 [tilespmem:s14], [sflag:$0x1], $0x1, s19, s13, $0xb8;
	[tilespmem:$0x1580] =	vst v63  }
0x52: {  	s20 =	simm.s32 $0x200  }
0x53: {  	[spmem:s3] =	stream.indirect.scatter.add.f32 [tilespmem:s14], [sflag:$0x1], $0x1, s20, s13, $0xb8;
	[tilespmem:$0x1580] =	vst v63  }
0x54: {  	s17 =	simm.s32 $0x280  }
0x55: {  	[spmem:s3] =	stream.indirect.scatter.add.f32 [tilespmem:s14], [sflag:$0x1], $0x1, s17, s13, $0xb8;
	[tilespmem:$0x1580] =	vst v63  }
0x56: {  	s18 =	simm.s32 $0x300  }
0x57: {  	[spmem:s3] =	stream.indirect.scatter.add.f32 [tilespmem:s14], [sflag:$0x1], $0x1, s18, s13, $0xb8;
	[tilespmem:$0x1580] =	vst v63  }
0x58: {  	s19 =	simm.s32 $0x380  }
0x59: {  	[spmem:s3] =	stream.indirect.scatter.add.f32 [tilespmem:s14], [sflag:$0x1], $0x1, s19, s13, $0xb8;
	[tilespmem:$0x1580] =	vst v63  }
0x5a: {  	s20 =	simm.s32 $0x400  }
0x5b: {  	[spmem:s3] =	stream.indirect.scatter.add.f32 [tilespmem:s14], [sflag:$0x1], $0x1, s20, s13, $0xb8;
	[tilespmem:$0x1580] =	vst v63  }
0x5c: {  	_ = 	snop  }
0x5d: {  	[spmem:s3] =	stream.indirect.scatter.add.f32 [tilespmem:s14], [sflag:$0x1], $0x1, s22, s13, $0xb8;
	[tilespmem:$0x1580] =	vst v63  }
0x5e: {  	_ = 	snop  }
0x5f: {  	[spmem:s3] =	stream.indirect.scatter.add.f32 [tilespmem:s14], [sflag:$0x1], $0x1, s23, s13, $0xb8;
	[tilespmem:$0x1580] =	vst v63  }
0x60: {  	_ = 	snop  }
0x61: {  	[spmem:s3] =	stream.indirect.scatter.add.f32 [tilespmem:s14], [sflag:$0x1], $0x1, s24, s13, $0xb8;
	[tilespmem:$0x1580] =	vst v63  }
0x62: {  	_ = 	snop  }
0x63: {  	[spmem:s3] =	stream.indirect.scatter.add.f32 [tilespmem:s14], [sflag:$0x1], $0x1, s25, s13, $0xb8;
	[tilespmem:$0x1580] =	vst v63  }
0x64: {  	_ = 	snop  }
0x65: {  	[spmem:s3] =	stream.indirect.scatter.add.f32 [tilespmem:s14], [sflag:$0x1], $0x1, s26, s13, $0xb8;
	[tilespmem:$0x1580] =	vst v63  }
0x66: {  	_ = 	snop  }
0x67: {  	[spmem:s3] =	stream.indirect.scatter.add.f32 [tilespmem:s14], [sflag:$0x1], $0x1, s28, s13, $0xb8;
	[tilespmem:$0x1580] =	vst v63  }
0x68: {  	_ = 	snop  }
0x69: {  	[spmem:s3] =	stream.indirect.scatter.add.f32 [tilespmem:s14], [sflag:$0x1], $0x1, s29, s13, $0xb8;
	[tilespmem:$0x1580] =	vst v63  }
0x6a: {  	_ = 	snop  }
0x6b: {  	[tilespmem:s30], [sflag:$0x2] =	stream.linear.gather [hbm4b:s7+s4], $0x800, $0x38;
	[tilespmem:$0x1580] =	vst v63  }
0x6c: {  	_ =	swait.ge [sflag:s31], $0x800  }
0x6d: {  	[sflag:s31] =	ssyncset.done $0x0  }
0x6e: {  	[sflag:s31] =	ssyncadd.s32 $0xFFFFF800  }
0x6f: {  	_ =	swait.ge [sflag:s2], $0x80  }
0x70: {  	[sflag:s2] =	ssyncset.done $0x0  }
0x71: {  	[sflag:s2] =	ssyncadd.s32 $0xFFFFFF80  }
0x72: {  	_ =	swait.ge [sflag:s2], $0x80  }
0x73: {  	[sflag:s2] =	ssyncset.done $0x0  }
0x74: {  	[sflag:s2] =	ssyncadd.s32 $0xFFFFFF80  }
0x75: {  	_ =	swait.ge [sflag:s2], $0x80  }
0x76: {  	[sflag:s2] =	ssyncset.done $0x0  }
0x77: {  	[sflag:s2] =	ssyncadd.s32 $0xFFFFFF80  }
0x78: {  	_ =	swait.ge [sflag:s2], $0x80  }
0x79: {  	[sflag:s2] =	ssyncset.done $0x0  }
0x7a: {  	[sflag:s2] =	ssyncadd.s32 $0xFFFFFF80  }
0x7b: {  	_ =	swait.ge [sflag:s2], $0x80  }
0x7c: {  	[sflag:s2] =	ssyncset.done $0x0  }
0x7d: {  	[sflag:s2] =	ssyncadd.s32 $0xFFFFFF80  }
0x7e: {  	_ =	swait.ge [sflag:s2], $0x80  }
0x7f: {  	[sflag:s2] =	ssyncset.done $0x0  }
0x80: {  	[sflag:s2] =	ssyncadd.s32 $0xFFFFFF80  }
0x81: {  	_ =	swait.ge [sflag:s2], $0x80  }
0x82: {  	[sflag:s2] =	ssyncset.done $0x0  }
0x83: {  	[sflag:s2] =	ssyncadd.s32 $0xFFFFFF80  }
0x84: {  	_ =	swait.ge [sflag:s2], $0x80  }
0x85: {  	[sflag:s2] =	ssyncset.done $0x0  }
0x86: {  	[sflag:s2] =	ssyncadd.s32 $0xFFFFFF80  }
0x87: {  	_ =	swait.ge [sflag:s2], $0x80  }
0x88: {  	[sflag:s2] =	ssyncset.done $0x0  }
0x89: {  	[sflag:s2] =	ssyncadd.s32 $0xFFFFFF80  }
0x8a: {  	_ =	swait.ge [sflag:s2], $0x80  }
0x8b: {  	[sflag:s2] =	ssyncset.done $0x0  }
0x8c: {  	[sflag:s2] =	ssyncadd.s32 $0xFFFFFF80  }
0x8d: {  	_ =	swait.ge [sflag:s2], $0x80  }
0x8e: {  	[sflag:s2] =	ssyncset.done $0x0  }
0x8f: {  	[sflag:s2] =	ssyncadd.s32 $0xFFFFFF80  }
0x90: {  	_ =	swait.ge [sflag:s2], $0x80  }
0x91: {  	[sflag:s2] =	ssyncset.done $0x0  }
0x92: {  	[sflag:s2] =	ssyncadd.s32 $0xFFFFFF80  }
0x93: {  	_ =	swait.ge [sflag:s2], $0x80  }
0x94: {  	[sflag:s2] =	ssyncset.done $0x0  }
0x95: {  	[sflag:s2] =	ssyncadd.s32 $0xFFFFFF80  }
0x96: {  	_ =	swait.ge [sflag:s2], $0x80  }
0x97: {  	[sflag:s2] =	ssyncset.done $0x0  }
0x98: {  	[sflag:s2] =	ssyncadd.s32 $0xFFFFFF80  }
0x99: {  	_ =	swait.ge [sflag:s2], $0x80  }
0x9a: {  	[sflag:s2] =	ssyncset.done $0x0  }
0x9b: {  	[sflag:s2] =	ssyncadd.s32 $0xFFFFFF80  }
0x9c: {  	_ =	swait.ge [sflag:s2], $0x80  }
0x9d: {  	s17 =	simm.s32 $0x800;
	[sflag:s2] =	ssyncset.done $0x0  }
0x9e: {  	s10 =	sand.u32 $0x800, s17;
	[sflag:s2] =	ssyncadd.s32 $0xFFFFFF80  }
0x9f: {  	[spmem:s3] =	stream.indirect.scatter.add.f32 [tilespmem:s14], [sflag:$0x1], $0x1, s10, s13, $0xb8;
	[tilespmem:$0x1580] =	vst v63  }
0xa0: {  	s17 =	sor.u32 $0x80, s10  }
0xa1: {  	[spmem:s3] =	stream.indirect.scatter.add.f32 [tilespmem:s14], [sflag:$0x1], $0x1, s17, s13, $0xb8;
	[tilespmem:$0x1580] =	vst v63  }
0xa2: {  	s18 =	sor.u32 $0x100, s10  }
0xa3: {  	[spmem:s3] =	stream.indirect.scatter.add.f32 [tilespmem:s14], [sflag:$0x1], $0x1, s18, s13, $0xb8;
	[tilespmem:$0x1580] =	vst v63  }
0xa4: {  	s19 =	sor.u32 $0x180, s10  }
0xa5: {  	[spmem:s3] =	stream.indirect.scatter.add.f32 [tilespmem:s14], [sflag:$0x1], $0x1, s19, s13, $0xb8;
	[tilespmem:$0x1580] =	vst v63  }
0xa6: {  	s20 =	sor.u32 $0x200, s10  }
0xa7: {  	[spmem:s3] =	stream.indirect.scatter.add.f32 [tilespmem:s14], [sflag:$0x1], $0x1, s20, s13, $0xb8;
	[tilespmem:$0x1580] =	vst v63  }
0xa8: {  	s18 =	sor.u32 $0x280, s10  }
0xa9: {  	[spmem:s3] =	stream.indirect.scatter.add.f32 [tilespmem:s14], [sflag:$0x1], $0x1, s18, s13, $0xb8;
	[tilespmem:$0x1580] =	vst v63  }
0xaa: {  	s19 =	sor.u32 $0x300, s10  }
0xab: {  	[spmem:s3] =	stream.indirect.scatter.add.f32 [tilespmem:s14], [sflag:$0x1], $0x1, s19, s13, $0xb8;
	[tilespmem:$0x1580] =	vst v63  }
0xac: {  	s20 =	sor.u32 $0x380, s10  }
0xad: {  	[spmem:s3] =	stream.indirect.scatter.add.f32 [tilespmem:s14], [sflag:$0x1], $0x1, s20, s13, $0xb8;
	[tilespmem:$0x1580] =	vst v63  }
0xae: {  	s18 =	sor.u32 $0x400, s10  }
0xaf: {  	[spmem:s3] =	stream.indirect.scatter.add.f32 [tilespmem:s14], [sflag:$0x1], $0x1, s18, s13, $0xb8;
	[tilespmem:$0x1580] =	vst v63  }
0xb0: {  	s19 =	sor.u32 $0x480, s10  }
0xb1: {  	[spmem:s3] =	stream.indirect.scatter.add.f32 [tilespmem:s14], [sflag:$0x1], $0x1, s19, s13, $0xb8;
	[tilespmem:$0x1580] =	vst v63  }
0xb2: {  	s20 =	sor.u32 $0x500, s10  }
0xb3: {  	[spmem:s3] =	stream.indirect.scatter.add.f32 [tilespmem:s14], [sflag:$0x1], $0x1, s20, s13, $0xb8;
	[tilespmem:$0x1580] =	vst v63  }
0xb4: {  	s18 =	sor.u32 $0x580, s10  }
0xb5: {  	[spmem:s3] =	stream.indirect.scatter.add.f32 [tilespmem:s14], [sflag:$0x1], $0x1, s18, s13, $0xb8;
	[tilespmem:$0x1580] =	vst v63  }
0xb6: {  	s19 =	sor.u32 $0x600, s10  }
0xb7: {  	[spmem:s3] =	stream.indirect.scatter.add.f32 [tilespmem:s14], [sflag:$0x1], $0x1, s19, s13, $0xb8;
	[tilespmem:$0x1580] =	vst v63  }
0xb8: {  	s20 =	sor.u32 $0x680, s10  }
0xb9: {  	[spmem:s3] =	stream.indirect.scatter.add.f32 [tilespmem:s14], [sflag:$0x1], $0x1, s20, s13, $0xb8;
	[tilespmem:$0x1580] =	vst v63  }
0xba: {  	p0 =	slt.s32 s21, $0x9F0;
	s18 =	sor.u32 $0x700, s10;
	s20 =	smov.u32 s21  }
0xbb: {  	[spmem:s3] =	stream.indirect.scatter.add.f32 [tilespmem:s14], [sflag:$0x1], $0x1, s18, s13, $0xb8;
	[tilespmem:$0x1580] =	vst v63  }
0xbc: {  	s17 =	simm.s32 $0x2;
	s19 =	sor.u32 $0x780, s10;
	s20 =	simm.s32 @!p0 $0x9F0  }
0xbd: {  	[spmem:s3] =	stream.indirect.scatter.add.f32 [tilespmem:s14], [sflag:$0x1], $0x1, s19, s13, $0xb8;
	[tilespmem:$0x1580] =	vst v63  }
0xbe: {  	s20 =	sshll.u32 s20, $0x4;
	s18 =	smov.u32 s21;
	s19 =	sxor.u32 $0x800, s10  }
.LBB2_2:
0xbf: {  	p0 =	sne.s32 s17, $0x4;
	s20 =	sadd.s32 s1, s20;
	s18 =	sadd.s32 $0x10, s18  }
0xc0: {  	[tilespmem:s19], [sflag:$0x2] =	stream.linear.gather [hbm4b:s20+s4], $0x800, $0x38;
	[tilespmem:$0x1580] =	vst v63  }
0xc1: {  	s19 =	smov.u32 s17;
	s17 =	sadd.s32 $0x1, s17;
	_ =	swait.ge [sflag:s31], $0x800  }
0xc2: {  	[sflag:s31] =	ssyncset.done $0x0  }
0xc3: {  	[sflag:s31] =	ssyncadd.s32 $0xFFFFF800  }
0xc4: {  	_ =	swait.ge [sflag:s2], $0x80  }
0xc5: {  	[sflag:s2] =	ssyncset.done $0x0  }
0xc6: {  	[sflag:s2] =	ssyncadd.s32 $0xFFFFFF80  }
0xc7: {  	_ =	swait.ge [sflag:s2], $0x80  }
0xc8: {  	[sflag:s2] =	ssyncset.done $0x0  }
0xc9: {  	[sflag:s2] =	ssyncadd.s32 $0xFFFFFF80  }
0xca: {  	_ =	swait.ge [sflag:s2], $0x80  }
0xcb: {  	[sflag:s2] =	ssyncset.done $0x0  }
0xcc: {  	[sflag:s2] =	ssyncadd.s32 $0xFFFFFF80  }
0xcd: {  	_ =	swait.ge [sflag:s2], $0x80  }
0xce: {  	[sflag:s2] =	ssyncset.done $0x0  }
0xcf: {  	[sflag:s2] =	ssyncadd.s32 $0xFFFFFF80  }
0xd0: {  	_ =	swait.ge [sflag:s2], $0x80  }
0xd1: {  	[sflag:s2] =	ssyncset.done $0x0  }
0xd2: {  	[sflag:s2] =	ssyncadd.s32 $0xFFFFFF80  }
0xd3: {  	_ =	swait.ge [sflag:s2], $0x80  }
0xd4: {  	[sflag:s2] =	ssyncset.done $0x0  }
0xd5: {  	[sflag:s2] =	ssyncadd.s32 $0xFFFFFF80  }
0xd6: {  	_ =	swait.ge [sflag:s2], $0x80  }
0xd7: {  	[sflag:s2] =	ssyncset.done $0x0  }
0xd8: {  	[sflag:s2] =	ssyncadd.s32 $0xFFFFFF80  }
0xd9: {  	_ =	swait.ge [sflag:s2], $0x80  }
0xda: {  	[sflag:s2] =	ssyncset.done $0x0  }
0xdb: {  	[sflag:s2] =	ssyncadd.s32 $0xFFFFFF80  }
0xdc: {  	_ =	swait.ge [sflag:s2], $0x80  }
0xdd: {  	[sflag:s2] =	ssyncset.done $0x0  }
0xde: {  	[sflag:s2] =	ssyncadd.s32 $0xFFFFFF80  }
0xdf: {  	_ =	swait.ge [sflag:s2], $0x80  }
0xe0: {  	[sflag:s2] =	ssyncset.done $0x0  }
0xe1: {  	[sflag:s2] =	ssyncadd.s32 $0xFFFFFF80  }
0xe2: {  	_ =	swait.ge [sflag:s2], $0x80  }
0xe3: {  	[sflag:s2] =	ssyncset.done $0x0  }
0xe4: {  	[sflag:s2] =	ssyncadd.s32 $0xFFFFFF80  }
0xe5: {  	_ =	swait.ge [sflag:s2], $0x80  }
0xe6: {  	[sflag:s2] =	ssyncset.done $0x0  }
0xe7: {  	[sflag:s2] =	ssyncadd.s32 $0xFFFFFF80  }
0xe8: {  	_ =	swait.ge [sflag:s2], $0x80  }
0xe9: {  	[sflag:s2] =	ssyncset.done $0x0  }
0xea: {  	[sflag:s2] =	ssyncadd.s32 $0xFFFFFF80  }
0xeb: {  	_ =	swait.ge [sflag:s2], $0x80  }
0xec: {  	[sflag:s2] =	ssyncset.done $0x0  }
0xed: {  	[sflag:s2] =	ssyncadd.s32 $0xFFFFFF80  }
0xee: {  	_ =	swait.ge [sflag:s2], $0x80  }
0xef: {  	[sflag:s2] =	ssyncset.done $0x0  }
0xf0: {  	[sflag:s2] =	ssyncadd.s32 $0xFFFFFF80  }
0xf1: {  	_ =	swait.ge [sflag:s2], $0x80  }
0xf2: {  	s19 =	sshll.u32 s19, $0xB;
	[sflag:s2] =	ssyncset.done $0x0  }
0xf3: {  	s19 =	sand.u32 $0x800, s19;
	[sflag:s2] =	ssyncadd.s32 $0xFFFFFF80  }
0xf4: {  	[spmem:s3] =	stream.indirect.scatter.add.f32 [tilespmem:s14], [sflag:$0x1], $0x1, s19, s13, $0xb8;
	[tilespmem:$0x1580] =	vst v63  }
0xf5: {  	s20 =	sor.u32 $0x80, s19  }
0xf6: {  	[spmem:s3] =	stream.indirect.scatter.add.f32 [tilespmem:s14], [sflag:$0x1], $0x1, s20, s13, $0xb8;
	[tilespmem:$0x1580] =	vst v63  }
0xf7: {  	s20 =	sor.u32 $0x100, s19  }
0xf8: {  	[spmem:s3] =	stream.indirect.scatter.add.f32 [tilespmem:s14], [sflag:$0x1], $0x1, s20, s13, $0xb8;
	[tilespmem:$0x1580] =	vst v63  }
0xf9: {  	s20 =	sor.u32 $0x180, s19  }
0xfa: {  	[spmem:s3] =	stream.indirect.scatter.add.f32 [tilespmem:s14], [sflag:$0x1], $0x1, s20, s13, $0xb8;
	[tilespmem:$0x1580] =	vst v63  }
0xfb: {  	s20 =	sor.u32 $0x200, s19  }
0xfc: {  	[spmem:s3] =	stream.indirect.scatter.add.f32 [tilespmem:s14], [sflag:$0x1], $0x1, s20, s13, $0xb8;
	[tilespmem:$0x1580] =	vst v63  }
0xfd: {  	s20 =	sor.u32 $0x280, s19  }
0xfe: {  	[spmem:s3] =	stream.indirect.scatter.add.f32 [tilespmem:s14], [sflag:$0x1], $0x1, s20, s13, $0xb8;
	[tilespmem:$0x1580] =	vst v63  }
0xff: {  	s20 =	sor.u32 $0x300, s19  }
0x100: {  	[spmem:s3] =	stream.indirect.scatter.add.f32 [tilespmem:s14], [sflag:$0x1], $0x1, s20, s13, $0xb8;
	[tilespmem:$0x1580] =	vst v63  }
0x101: {  	s20 =	sor.u32 $0x380, s19  }
0x102: {  	[spmem:s3] =	stream.indirect.scatter.add.f32 [tilespmem:s14], [sflag:$0x1], $0x1, s20, s13, $0xb8;
	[tilespmem:$0x1580] =	vst v63  }
0x103: {  	s20 =	sor.u32 $0x400, s19  }
0x104: {  	[spmem:s3] =	stream.indirect.scatter.add.f32 [tilespmem:s14], [sflag:$0x1], $0x1, s20, s13, $0xb8;
	[tilespmem:$0x1580] =	vst v63  }
0x105: {  	s20 =	sor.u32 $0x480, s19  }
0x106: {  	[spmem:s3] =	stream.indirect.scatter.add.f32 [tilespmem:s14], [sflag:$0x1], $0x1, s20, s13, $0xb8;
	[tilespmem:$0x1580] =	vst v63  }
0x107: {  	s20 =	sor.u32 $0x500, s19  }
0x108: {  	[spmem:s3] =	stream.indirect.scatter.add.f32 [tilespmem:s14], [sflag:$0x1], $0x1, s20, s13, $0xb8;
	[tilespmem:$0x1580] =	vst v63  }
0x109: {  	s20 =	sor.u32 $0x580, s19  }
0x10a: {  	[spmem:s3] =	stream.indirect.scatter.add.f32 [tilespmem:s14], [sflag:$0x1], $0x1, s20, s13, $0xb8;
	[tilespmem:$0x1580] =	vst v63  }
0x10b: {  	s20 =	sor.u32 $0x600, s19  }
0x10c: {  	[spmem:s3] =	stream.indirect.scatter.add.f32 [tilespmem:s14], [sflag:$0x1], $0x1, s20, s13, $0xb8;
	[tilespmem:$0x1580] =	vst v63  }
0x10d: {  	p1 =	slt.s32 s18, $0x9F0;
	s20 =	sor.u32 $0x680, s19  }
0x10e: {  	[spmem:s3] =	stream.indirect.scatter.add.f32 [tilespmem:s14], [sflag:$0x1], $0x1, s20, s13, $0xb8;
	[tilespmem:$0x1580] =	vst v63  }
.Ltmp0:
0x10f: {  	s10 =	smov.u32 s18;
	s20 =	sor.u32 $0x700, s19;
	(pc) =	sbr.rel @p0 .LBB2_2-.Ltmp0, $4  }
0x110: {  	[spmem:s3] =	stream.indirect.scatter.add.f32 [tilespmem:s14], [sflag:$0x1], $0x1, s20, s13, $0xb8;
	[tilespmem:$0x1580] =	vst v63  }
0x111: {  	s10 =	simm.s32 @!p1 $0x9F0;
	s20 =	sor.u32 $0x780, s19  }
0x112: {  	[spmem:s3] =	stream.indirect.scatter.add.f32 [tilespmem:s14], [sflag:$0x1], $0x1, s20, s13, $0xb8;
	[tilespmem:$0x1580] =	vst v63  }
0x113: {  	s19 =	sxor.u32 $0x800, s19;
	s20 =	sshll.u32 s10, $0x4  }
0x114: {  	s10 =	sadd.s32 s1, s20  }
0x115: {  	[tilespmem:s19], [sflag:$0x2] =	stream.linear.gather [hbm4b:s10+s4], $0x800, $0x38;
	[tilespmem:$0x1580] =	vst v63  }
0x116: {  	_ =	swait.ge [sflag:s2], $0x80  }
0x117: {  	[sflag:s2] =	ssyncset.done $0x0  }
0x118: {  	[sflag:s2] =	ssyncadd.s32 $0xFFFFFF80  }
0x119: {  	_ =	swait.ge [sflag:s2], $0x80  }
0x11a: {  	[sflag:s2] =	ssyncset.done $0x0  }
0x11b: {  	[sflag:s2] =	ssyncadd.s32 $0xFFFFFF80  }
0x11c: {  	_ =	swait.ge [sflag:s2], $0x80  }
0x11d: {  	[sflag:s2] =	ssyncset.done $0x0  }
0x11e: {  	[sflag:s2] =	ssyncadd.s32 $0xFFFFFF80  }
0x11f: {  	_ =	swait.ge [sflag:s2], $0x80  }
0x120: {  	[sflag:s2] =	ssyncset.done $0x0  }
0x121: {  	[sflag:s2] =	ssyncadd.s32 $0xFFFFFF80  }
0x122: {  	_ =	swait.ge [sflag:s2], $0x80  }
0x123: {  	[sflag:s2] =	ssyncset.done $0x0  }
0x124: {  	[sflag:s2] =	ssyncadd.s32 $0xFFFFFF80  }
0x125: {  	_ =	swait.ge [sflag:s2], $0x80  }
0x126: {  	[sflag:s2] =	ssyncset.done $0x0  }
0x127: {  	[sflag:s2] =	ssyncadd.s32 $0xFFFFFF80  }
0x128: {  	_ =	swait.ge [sflag:s2], $0x80  }
0x129: {  	[sflag:s2] =	ssyncset.done $0x0  }
0x12a: {  	[sflag:s2] =	ssyncadd.s32 $0xFFFFFF80  }
0x12b: {  	_ =	swait.ge [sflag:s2], $0x80  }
0x12c: {  	[sflag:s2] =	ssyncset.done $0x0  }
0x12d: {  	[sflag:s2] =	ssyncadd.s32 $0xFFFFFF80  }
0x12e: {  	_ =	swait.ge [sflag:s2], $0x80  }
0x12f: {  	[sflag:s2] =	ssyncset.done $0x0  }
0x130: {  	[sflag:s2] =	ssyncadd.s32 $0xFFFFFF80  }
0x131: {  	_ =	swait.ge [sflag:s2], $0x80  }
0x132: {  	[sflag:s2] =	ssyncset.done $0x0  }
0x133: {  	[sflag:s2] =	ssyncadd.s32 $0xFFFFFF80  }
0x134: {  	_ =	swait.ge [sflag:s2], $0x80  }
0x135: {  	[sflag:s2] =	ssyncset.done $0x0  }
0x136: {  	[sflag:s2] =	ssyncadd.s32 $0xFFFFFF80  }
0x137: {  	_ =	swait.ge [sflag:s2], $0x80  }
0x138: {  	[sflag:s2] =	ssyncset.done $0x0  }
0x139: {  	[sflag:s2] =	ssyncadd.s32 $0xFFFFFF80  }
0x13a: {  	_ =	swait.ge [sflag:s2], $0x80  }
0x13b: {  	[sflag:s2] =	ssyncset.done $0x0  }
0x13c: {  	[sflag:s2] =	ssyncadd.s32 $0xFFFFFF80  }
0x13d: {  	_ =	swait.ge [sflag:s2], $0x80  }
0x13e: {  	[sflag:s2] =	ssyncset.done $0x0  }
0x13f: {  	[sflag:s2] =	ssyncadd.s32 $0xFFFFFF80  }
0x140: {  	_ =	swait.ge [sflag:s2], $0x80  }
0x141: {  	[sflag:s2] =	ssyncset.done $0x0  }
0x142: {  	[sflag:s2] =	ssyncadd.s32 $0xFFFFFF80  }
0x143: {  	_ =	swait.ge [sflag:s2], $0x80  }
0x144: {  	[sflag:s2] =	ssyncset.done $0x0  }
0x145: {  	[sflag:s2] =	ssyncadd.s32 $0xFFFFFF80  }
0x146: {  	_ =	swait.ge [sflag:s31], $0x800  }
0x147: {  	s20 =	sshll.u32 s0, $0x6;
	s16 =	sadd.s32 $0x1, s16;
	[sflag:s31] =	ssyncset.done $0x0  }
0x148: {  	s17 =	sshrl.u32 s6, $0x3;
	p0 =	sne.s32 s16, s9;
	[sflag:s31] =	ssyncadd.s32 $0xFFFFF800  }
.Ltmp1:
0x149: {  	s10 =	sor.u32 $0x1C03, s20;
	[bflag:$0x0] =	sbarrier.arrive $0xFFFF;
	(pc) =	sbr.rel @p0 .LBB2_1-.Ltmp1, $4  }
0x14a: {  	[hbm:s8@s12], [sflag:s10] =	dma.strided [spmem:s17@s15], $0x50, s2, $0x10   }
0x14b: {  	_ =	swait.ge [sflag:s11], $0x50  }
0x14c: {  	[sflag:s11] =	ssyncset.done $0x0  }
0x14d: {  	[sflag:s11] =	ssyncadd.s32 $0xFFFFFFB0  }
0x14e: {  	_ =	sfence.sel $0x180000  }
0x14f: {  	[bflag:$0x0] =	sbarrier.arrive $0xFFFF  }
0x150: {  	_ =	strace $0x90000047  }
0x151: {  	[bflag:$0x2] =	sbarrier.arrive $0xFFFF  }
0x152: {  	p0 =	sne.s32 s0, $0x0;
	s0 =	rddreg [dreg:$0x3]  }
0x153: {  	s0 =	sadd.s32 @!p0 $0x100000, s0  }
0x154: {  	[sflag:s0] =	ssyncadd.tile.s32 @!p0 $0x1;
	_ =	shalt  }
.Lfunc_end2:
_tile_overlayer_lowered:
.L_overlay_start_2:
0x155: {  	(tag) =	ssettag $0x2  }
0x156: {  	s0 =	rddreg [dreg:$0x0];
	s2 =	stileid.u32  }
0x157: {  	s1 =	rddreg [dreg:$0x1];
	p0 =	sne.s32 s2, $0x0  }
0x158: {  	s3 =	rddreg [dreg:$0x2];
	[bflag:$0x3] =	sbarrier.arrive $0xFFFF;
	s2 =	simm.s32 @!p0 $0x1C03  }
0x159: {  	[timem:s3], [sflag:s2] =	dma.local @!p0 [hbm:s0], s1  }
0x15a: {  	s0 =	simm.s32 @!p0 $0x3  }
0x15b: {  	_ =	swait.ge @!p0 [sflag:s0], s1  }
0x15c: {  	s1 =	ssub.s32 @!p0 $0x0, s1;
	[sflag:s0] =	ssyncset.done @!p0 $0x0  }
0x15d: {  	[sflag:s0] =	ssyncadd.s32 @!p0 s1  }
0x15e: {  	[bflag:$0x3] =	sbarrier.arrive $0xFFFF  }
0x15f: {  	_ =	shalt  }

</sc_bundles>
